<compile_context>
chip_gen: v7x
topology: tpu7x:2x2x1
jax: 0.10.2.dev20260603
libtpu: 0.0.44.dev20260713+nightly
codegen_flags: <defaults>
</compile_context>

<pallas_src>
import functools

import jax
import jax.numpy as jnp
from jax import lax
from jax.experimental import pallas as pl
from jax.experimental.pallas import tpu as pltpu
from jax.experimental.pallas import tpu_sc as plsc

NC = 2
NS = 16
NW = NC * NS
NPAD = 10240
SROWS = NPAD // NS

K1, NBUF1 = 64, 3
K2, NBUF2 = 128, 6


def _zero_accumulator(zb_v, acc_sh, sid, k, d):
    zvec = jnp.zeros((16,), jnp.float32)

    @pl.loop(0, k)
    def _(r):
        @pl.loop(0, d, step=16)
        def _(col):
            zb_v[r, pl.ds(col, 16)] = zvec

    full, rem = SROWS // k, SROWS % k

    @pl.loop(0, full * k, step=k)
    def _(r0):
        pltpu.sync_copy(zb_v, acc_sh.at[pl.ds(sid * SROWS + r0, k)])

    if rem:
        pltpu.sync_copy(
            zb_v.at[pl.ds(0, rem)],
            acc_sh.at[pl.ds(sid * SROWS + full * k, rem)])


def _agg_loop(table_hbm, src_v, dst_v, rows, gsems, ssems, acc_sh, n_chunks):
    nbuf = len(rows)
    for s in range(nbuf):
        pltpu.async_copy(table_hbm.at[src_v.at[s]], rows[s], gsems[s])

    @pl.loop(0, n_chunks, step=nbuf)
    def _(j):
        for s in range(nbuf):
            pltpu.make_async_copy(
                table_hbm.at[src_v.at[j + s]], rows[s], gsems[s]).wait()
            pltpu.async_copy(
                rows[s], acc_sh.at[dst_v.at[j + s]], ssems[s], add=True)
        for s in range(nbuf):
            @pl.when(j + nbuf + s < n_chunks)
            def _(s=s):
                pltpu.make_async_copy(
                    rows[s], acc_sh.at[dst_v.at[j + s]], ssems[s]).wait()
                pltpu.async_copy(
                    table_hbm.at[src_v.at[j + nbuf + s]], rows[s], gsems[s])

    for s in range(nbuf):
        pltpu.make_async_copy(
            rows[s], acc_sh.at[dst_v.at[0]], ssems[s]).wait()


def _sc_agg_padded(table, src3, dst3, n_chunks, d, k, nbuf):
    mesh = plsc.VectorSubcoreMesh(core_axis_name="c", subcore_axis_name="s")

    @functools.partial(
        pl.kernel,
        out_type=jax.ShapeDtypeStruct((NC, NPAD, d), jnp.float32),
        mesh=mesh,
        scratch_types=[
            pltpu.VMEM((n_chunks, k), jnp.int32),
            pltpu.VMEM((n_chunks, k), jnp.int32),
        ] + [pltpu.VMEM((k, d), jnp.float32) for _ in range(nbuf)] + [
            pltpu.VMEM_SHARED((NPAD, d), jnp.float32),
        ] + [pltpu.SemaphoreType.DMA for _ in range(2 * nbuf + 2)],
        compiler_params=pltpu.CompilerParams(use_tc_tiling_on_sc=False),
    )
    def agg_kernel(table_hbm, src_hbm, dst_hbm, out_hbm,
                   src_v, dst_v, *bufs_and_sems):
        rows = bufs_and_sems[:nbuf]
        acc_sh = bufs_and_sems[nbuf]
        gsems = bufs_and_sems[nbuf + 1:2 * nbuf + 1]
        ssems = bufs_and_sems[2 * nbuf + 1:3 * nbuf + 1]
        isems = bufs_and_sems[3 * nbuf + 1:]
        cid = lax.axis_index("c")
        sid = lax.axis_index("s")
        wid = sid * NC + cid

        pltpu.async_copy(src_hbm.at[wid], src_v, isems[0])
        pltpu.async_copy(dst_hbm.at[wid], dst_v, isems[1])
        _zero_accumulator(rows[0], acc_sh, sid, k, d)
        plsc.subcore_barrier()

        pltpu.make_async_copy(src_hbm.at[wid], src_v, isems[0]).wait()
        pltpu.make_async_copy(dst_hbm.at[wid], dst_v, isems[1]).wait()
        _agg_loop(table_hbm, src_v, dst_v, rows, gsems, ssems,
                  acc_sh, n_chunks)

        plsc.subcore_barrier()
        pltpu.sync_copy(acc_sh.at[pl.ds(sid * SROWS, SROWS)],
                        out_hbm.at[cid, pl.ds(sid * SROWS, SROWS)])

    return agg_kernel(table, src3, dst3)


def _pad_edges(src, dst, n_workers, n_nodes, k, nbuf):
    e_w = src.size // n_workers
    nch = -(-e_w // k)
    nch = -(-nch // nbuf) * nbuf
    pad = nch * k - e_w
    lane = jnp.arange(pad, dtype=jnp.int32)[None, :]
    wrk = jnp.arange(n_workers, dtype=jnp.int32)[:, None]
    fake_src = (lane * 131 + wrk * 613) % n_nodes
    fake_dst = n_nodes + (lane + wrk * 7) % (NPAD - n_nodes)
    src3 = jnp.concatenate([src.reshape(n_workers, e_w), fake_src], axis=1)
    dst3 = jnp.concatenate([dst.reshape(n_workers, e_w), fake_dst], axis=1)
    return (src3.reshape(n_workers, nch, k),
            dst3.reshape(n_workers, nch, k), nch)


def _tc_mlp(agg, w1, b1_2d, w2p, bm=2048):
    d_in = agg.shape[2]
    d_hid = w1.shape[1]
    d_out = w2p.shape[1]

    def body(a0, a1, w1r, b1r, w2r, o):
        full = a0[0] + a1[0]
        h = jnp.dot(full, w1r[...], preferred_element_type=jnp.float32)
        h = jnp.maximum(h + b1r[...], 0.0)
        o[...] = jnp.dot(h, w2r[...], preferred_element_type=jnp.float32)

    return pl.pallas_call(
        body,
        grid=(NPAD // bm,),
        in_specs=[
            pl.BlockSpec((1, bm, d_in), lambda i: (0, i, 0)),
            pl.BlockSpec((1, bm, d_in), lambda i: (1, i, 0)),
            pl.BlockSpec((d_in, d_hid), lambda i: (0, 0)),
            pl.BlockSpec((1, d_hid), lambda i: (0, 0)),
            pl.BlockSpec((d_hid, d_out), lambda i: (0, 0)),
        ],
        out_specs=pl.BlockSpec((bm, d_out), lambda i: (i, 0)),
        out_shape=jax.ShapeDtypeStruct((NPAD, d_out), jnp.float32),
    )(agg, agg, w1, b1_2d, w2p)


def _tc_final(acc, b2_2d, bm=1024):
    d = acc.shape[2]

    def body(a0, a1, b2r, o):
        o[...] = a0[0] + a1[0] + b2r[...]

    return pl.pallas_call(
        body,
        grid=(NPAD // bm,),
        in_specs=[
            pl.BlockSpec((1, bm, d), lambda i: (0, i, 0)),
            pl.BlockSpec((1, bm, d), lambda i: (1, i, 0)),
            pl.BlockSpec((1, d), lambda i: (0, 0)),
        ],
        out_specs=pl.BlockSpec((bm, d), lambda i: (i, 0)),
        out_shape=jax.ShapeDtypeStruct((NPAD, d), jnp.float32),
    )(acc, acc, b2_2d)


def kernel(x, edge_index, W1, b1, W2, b2):
    n_nodes, d_in = x.shape
    d_hid = W1.shape[1]
    d_out = W2.shape[1]
    d_out_pad = 48

    ei = edge_index.astype(jnp.int32)

    src1, dst1, nch1 = _pad_edges(ei[0], ei[1], NW, n_nodes, K1, NBUF1)
    acc1 = _sc_agg_padded(x, src1, dst1, nch1, d_in, K1, NBUF1)

    w2p = jnp.pad(W2, ((0, 0), (0, d_out_pad - d_out)))
    g = _tc_mlp(acc1, W1, b1.reshape(1, d_hid), w2p)

    src2, dst2, nch2 = _pad_edges(ei[0], ei[1], NW, n_nodes, K2, NBUF2)
    acc2 = _sc_agg_padded(g, src2, dst2, nch2, d_out_pad, K2, NBUF2)

    b2p = jnp.pad(b2, (0, d_out_pad - d_out)).reshape(1, d_out_pad)
    out = _tc_final(acc2, b2p)
    return out[:n_nodes, :d_out]

# --- scband reference (transcript-rebuilt; emitter-appended) ---
"""Pipeline reference for scband-timed-gcn-7224134992216 (READ-ONLY COPY).

The authoritative reference and input builder live on the scoring server;
editing this copy changes nothing except your own understanding.
"""

import jax, jax.numpy as jnp
import numpy as np

N_NODES = 10000
N_EDGES = 320000
D_IN = 128
D_HID = 512
D_OUT = 40


def setup_inputs(seed: int = 0) -> dict:
    key = jax.random.key(seed)
    k_x, k_e, k_w1, k_w2 = jax.random.split(key, 4)
    x = jax.random.normal(k_x, (N_NODES, D_IN), dtype=jnp.float32)
    edge_index = jax.random.randint(k_e, (2, N_EDGES), 0, N_NODES, dtype=jnp.int64)
    # Linear weights (kaiming-uniform-ish via uniform scaling, bias zero-init as in module)
    lim1 = 1.0 / np.sqrt(D_IN)
    W1 = jax.random.uniform(k_w1, (D_IN, D_HID), minval=-lim1, maxval=lim1, dtype=jnp.float32)
    b1 = jnp.zeros((D_HID,), dtype=jnp.float32)
    lim2 = 1.0 / np.sqrt(D_HID)
    W2 = jax.random.uniform(k_w2, (D_HID, D_OUT), minval=-lim2, maxval=lim2, dtype=jnp.float32)
    b2 = jnp.zeros((D_OUT,), dtype=jnp.float32)
    return {"x": x, "edge_index": edge_index, "W1": W1, "b1": b1, "W2": W2, "b2": b2}


def _gcn_conv(x, edge_index, W, b):
    # lin (no bias inside Linear), then propagate with aggr='add':
    # message = x_j (edge_weight is None), scatter-add into dst nodes, then add bias.
    h = x @ W
    src = edge_index[0]
    dst = edge_index[1]
    msgs = jnp.take(h, src, axis=0)
    out = jax.ops.segment_sum(msgs, dst, num_segments=N_NODES)
    return out + b


def reference(x, edge_index, W1, b1, W2, b2):
    h = _gcn_conv(x, edge_index, W1, b1)
    h = jax.nn.relu(h)
    out = _gcn_conv(h, edge_index, W2, b2)
    return out

if __name__ == "__main__":
    import jax
    _d = setup_inputs()
    print(jax.jit(kernel)(*tuple(_d.values())))

</pallas_src>

<mosaic_0001>
#map = affine_map<(d0, d1) -> (0, 0)>
#map1 = affine_map<(d0, d1) -> (0, 0, 0)>
module attributes {stable_mosaic.version = 14 : i64} {
  func.func @agg_kernel(%arg0: i32, %arg1: i32, %arg2: memref<10240x48xf32, #tpu.memory_space<hbm>>, %arg3: memref<32x84x128xi32, #tpu.memory_space<hbm>>, %arg4: memref<32x84x128xi32, #tpu.memory_space<hbm>>, %arg5: memref<2x10240x48xf32, #tpu.memory_space<hbm>>, %arg6: memref<84x128xi32, #tpu.memory_space<vmem>>, %arg7: memref<84x128xi32, #tpu.memory_space<vmem>>, %arg8: memref<128x48xf32, #tpu.memory_space<vmem>>, %arg9: memref<128x48xf32, #tpu.memory_space<vmem>>, %arg10: memref<128x48xf32, #tpu.memory_space<vmem>>, %arg11: memref<128x48xf32, #tpu.memory_space<vmem>>, %arg12: memref<128x48xf32, #tpu.memory_space<vmem>>, %arg13: memref<128x48xf32, #tpu.memory_space<vmem>>, %arg14: memref<10240x48xf32, #tpu.memory_space<vmem_shared>>, %arg15: memref<!tpu.dma_semaphore, #tpu.memory_space<semaphore_mem>>, %arg16: memref<!tpu.dma_semaphore, #tpu.memory_space<semaphore_mem>>, %arg17: memref<!tpu.dma_semaphore, #tpu.memory_space<semaphore_mem>>, %arg18: memref<!tpu.dma_semaphore, #tpu.memory_space<semaphore_mem>>, %arg19: memref<!tpu.dma_semaphore, #tpu.memory_space<semaphore_mem>>, %arg20: memref<!tpu.dma_semaphore, #tpu.memory_space<semaphore_mem>>, %arg21: memref<!tpu.dma_semaphore, #tpu.memory_space<semaphore_mem>>, %arg22: memref<!tpu.dma_semaphore, #tpu.memory_space<semaphore_mem>>, %arg23: memref<!tpu.dma_semaphore, #tpu.memory_space<semaphore_mem>>, %arg24: memref<!tpu.dma_semaphore, #tpu.memory_space<semaphore_mem>>, %arg25: memref<!tpu.dma_semaphore, #tpu.memory_space<semaphore_mem>>, %arg26: memref<!tpu.dma_semaphore, #tpu.memory_space<semaphore_mem>>, %arg27: memref<!tpu.dma_semaphore, #tpu.memory_space<semaphore_mem>>, %arg28: memref<!tpu.dma_semaphore, #tpu.memory_space<semaphore_mem>>) attributes {dimension_semantics = [#tpu.dimension_semantics<core_parallel>, #tpu.dimension_semantics<subcore_parallel>], iteration_bounds = array<i64: 2, 16>, scalar_prefetch = 0 : i64, scratch_operands = 23 : i64, tpu.core_type = #tpu.core_type<sc_vector_subcore>, window_params = [{transform_indices = #map}, {transform_indices = #map1}, {transform_indices = #map1}, {transform_indices = #map1}]} {
    %mul3A = arith.constant 2 : i32
    %mul3A_0 = arith.muli %arg1, %mul3A : i32
    %add3A = arith.addi %mul3A_0, %arg0 : i32
    %dma_start3A = arith.constant 0 : i32
    %dma_start3A_1 = arith.constant 0 : i32
    %dma_start3A_2 = tpu.memref_slice %arg3[%add3A, %dma_start3A, %dma_start3A_1] : memref<32x84x128xi32, #tpu.memory_space<hbm>> -> memref<1x84x128xi32, #tpu.memory_space<hbm>>
    %dma_start3A_3 = tpu.memref_squeeze %dma_start3A_2 : memref<1x84x128xi32, #tpu.memory_space<hbm>> -> memref<84x128xi32, #tpu.memory_space<hbm>>
    %dma_start3A_4 = arith.constant 0 : i32
    %dma_start3A_5 = arith.constant 0 : i32
    %dma_start3A_6 = tpu.memref_slice %arg3[%add3A, %dma_start3A_4, %dma_start3A_5] : memref<32x84x128xi32, #tpu.memory_space<hbm>> -> memref<1x84x128xi32, #tpu.memory_space<hbm>>
    %dma_start3A_7 = tpu.memref_squeeze %dma_start3A_6 : memref<1x84x128xi32, #tpu.memory_space<hbm>> -> memref<84x128xi32, #tpu.memory_space<hbm>>
    tpu.enqueue_dma source(%dma_start3A_7 : memref<84x128xi32, #tpu.memory_space<hbm>>) target(%arg6 : memref<84x128xi32, #tpu.memory_space<vmem>>) target_semaphore(%arg27 : memref<!tpu.dma_semaphore, #tpu.memory_space<semaphore_mem>>)
    %dma_start3A_8 = arith.constant 0 : i32
    %dma_start3A_9 = arith.constant 0 : i32
    %dma_start3A_10 = tpu.memref_slice %arg4[%add3A, %dma_start3A_8, %dma_start3A_9] : memref<32x84x128xi32, #tpu.memory_space<hbm>> -> memref<1x84x128xi32, #tpu.memory_space<hbm>>
    %dma_start3A_11 = tpu.memref_squeeze %dma_start3A_10 : memref<1x84x128xi32, #tpu.memory_space<hbm>> -> memref<84x128xi32, #tpu.memory_space<hbm>>
    %dma_start3A_12 = arith.constant 0 : i32
    %dma_start3A_13 = arith.constant 0 : i32
    %dma_start3A_14 = tpu.memref_slice %arg4[%add3A, %dma_start3A_12, %dma_start3A_13] : memref<32x84x128xi32, #tpu.memory_space<hbm>> -> memref<1x84x128xi32, #tpu.memory_space<hbm>>
    %dma_start3A_15 = tpu.memref_squeeze %dma_start3A_14 : memref<1x84x128xi32, #tpu.memory_space<hbm>> -> memref<84x128xi32, #tpu.memory_space<hbm>>
    tpu.enqueue_dma source(%dma_start3A_15 : memref<84x128xi32, #tpu.memory_space<hbm>>) target(%arg7 : memref<84x128xi32, #tpu.memory_space<vmem>>) target_semaphore(%arg28 : memref<!tpu.dma_semaphore, #tpu.memory_space<semaphore_mem>>)
    %broadcast_in_dim3A = arith.constant 0.000000e+00 : f32
    %broadcast_in_dim3A_16 = vector.broadcast %broadcast_in_dim3A : f32 to vector<16xf32>
    %scan3A = arith.constant 0 : i32
    %scan3A_17 = arith.constant 128 : i32
    %scan3A_18 = arith.addi %scan3A, %scan3A_17 : i32
    %scan3A_19 = arith.constant 1 : i32
    scf.for %scan3A_135 = %scan3A to %scan3A_18 step %scan3A_19  : i32 {
      %mul3A_136 = arith.constant 1 : i32
      %mul3A_137 = arith.muli %scan3A_135, %mul3A_136 : i32
      %add3A_138 = arith.constant 0 : i32
      %add3A_139 = arith.addi %add3A_138, %mul3A_137 : i32
      %scan3A_140 = arith.constant 0 : i32
      %scan3A_141 = arith.constant 3 : i32
      %scan3A_142 = arith.addi %scan3A_140, %scan3A_141 : i32
      %scan3A_143 = arith.constant 1 : i32
      scf.for %scan3A_145 = %scan3A_140 to %scan3A_142 step %scan3A_143  : i32 {
        %mul3A_146 = arith.constant 16 : i32
        %mul3A_147 = arith.muli %scan3A_145, %mul3A_146 : i32
        %add3A_148 = arith.constant 0 : i32
        %add3A_149 = arith.addi %add3A_148, %mul3A_147 : i32
        %swap3A = arith.index_cast %add3A_139 : i32 to index
        %swap3A_150 = arith.index_cast %add3A_149 : i32 to index
        %swap3A_151 = tpu.vector_load %arg8[%swap3A, %swap3A_150] {strides = array<i32>} : memref<128x48xf32, #tpu.memory_space<vmem>>, vector<1x16xf32>,
        %swap3A_152 = vector.shape_cast %swap3A_151 : vector<1x16xf32> to vector<16xf32>
        %swap3A_153 = vector.shape_cast %broadcast_in_dim3A_16 : vector<16xf32> to vector<1x16xf32>
        tpu.vector_store %arg8[%swap3A, %swap3A_150], %swap3A_153 {strides = array<i32>} : memref<128x48xf32, #tpu.memory_space<vmem>>, vector<1x16xf32>,
      }
      %scan3A_144 = arith.constant 3 : i32
    }
    %scan3A_20 = arith.constant 128 : i32
    %scan3A_21 = arith.constant 0 : i32
    %scan3A_22 = arith.constant 5 : i32
    %scan3A_23 = arith.addi %scan3A_21, %scan3A_22 : i32
    %scan3A_24 = arith.constant 1 : i32
    scf.for %scan3A_135 = %scan3A_21 to %scan3A_23 step %scan3A_24  : i32 {
      %mul3A_136 = arith.constant 128 : i32
      %mul3A_137 = arith.muli %scan3A_135, %mul3A_136 : i32
      %add3A_138 = arith.constant 0 : i32
      %add3A_139 = arith.addi %add3A_138, %mul3A_137 : i32
      %mul3A_140 = arith.constant 640 : i32
      %mul3A_141 = arith.muli %arg1, %mul3A_140 : i32
      %add3A_142 = arith.addi %mul3A_141, %add3A_139 : i32
      "tpu.region"() ({
        %run_scoped3A = tpu.sem_alloc : memref<!tpu.dma_semaphore, #tpu.memory_space<semaphore_mem>>
        %dma_start3A_143 = arith.constant 0 : i32
        %dma_start3A_144 = tpu.memref_slice %arg14[%add3A_142, %dma_start3A_143] : memref<10240x48xf32, #tpu.memory_space<vmem_shared>> -> memref<128x48xf32, #tpu.memory_space<vmem_shared>>
        %dma_start3A_145 = arith.constant 0 : i32
        %dma_start3A_146 = tpu.memref_slice %arg14[%add3A_142, %dma_start3A_145] : memref<10240x48xf32, #tpu.memory_space<vmem_shared>> -> memref<128x48xf32, #tpu.memory_space<vmem_shared>>
        tpu.enqueue_dma source(%arg8 : memref<128x48xf32, #tpu.memory_space<vmem>>) target(%dma_start3A_146 : memref<128x48xf32, #tpu.memory_space<vmem_shared>>) target_semaphore(%run_scoped3A : memref<!tpu.dma_semaphore, #tpu.memory_space<semaphore_mem>>)
        %dma_wait3A_147 = arith.constant 0 : i32
        %dma_wait3A_148 = tpu.memref_slice %arg14[%add3A_142, %dma_wait3A_147] : memref<10240x48xf32, #tpu.memory_space<vmem_shared>> -> memref<128x48xf32, #tpu.memory_space<vmem_shared>>
        %dma_wait3A_149 = arith.constant 0 : i32
        %dma_wait3A_150 = tpu.memref_slice %arg14[%add3A_142, %dma_wait3A_149] : memref<10240x48xf32, #tpu.memory_space<vmem_shared>> -> memref<128x48xf32, #tpu.memory_space<vmem_shared>>
        tpu.wait_dma2 semaphore(%run_scoped3A : memref<!tpu.dma_semaphore, #tpu.memory_space<semaphore_mem>>) src(%arg8 : memref<128x48xf32, #tpu.memory_space<vmem>>) dst(%dma_wait3A_150 : memref<128x48xf32, #tpu.memory_space<vmem_shared>>)
        tpu.yield
      }) : () -> ()
    }
    %scan3A_25 = arith.constant 5 : i32
    %barrier3A = arith.constant 0 : index
    tpu.barrier barrier_id(%barrier3A)
    %dma_wait3A = arith.constant 0 : i32
    %dma_wait3A_26 = arith.constant 0 : i32
    %dma_wait3A_27 = tpu.memref_slice %arg3[%add3A, %dma_wait3A, %dma_wait3A_26] : memref<32x84x128xi32, #tpu.memory_space<hbm>> -> memref<1x84x128xi32, #tpu.memory_space<hbm>>
    %dma_wait3A_28 = tpu.memref_squeeze %dma_wait3A_27 : memref<1x84x128xi32, #tpu.memory_space<hbm>> -> memref<84x128xi32, #tpu.memory_space<hbm>>
    %dma_wait3A_29 = arith.constant 0 : i32
    %dma_wait3A_30 = arith.constant 0 : i32
    %dma_wait3A_31 = tpu.memref_slice %arg3[%add3A, %dma_wait3A_29, %dma_wait3A_30] : memref<32x84x128xi32, #tpu.memory_space<hbm>> -> memref<1x84x128xi32, #tpu.memory_space<hbm>>
    %dma_wait3A_32 = tpu.memref_squeeze %dma_wait3A_31 : memref<1x84x128xi32, #tpu.memory_space<hbm>> -> memref<84x128xi32, #tpu.memory_space<hbm>>
    tpu.wait_dma2 semaphore(%arg27 : memref<!tpu.dma_semaphore, #tpu.memory_space<semaphore_mem>>) src(%dma_wait3A_32 : memref<84x128xi32, #tpu.memory_space<hbm>>) dst(%arg6 : memref<84x128xi32, #tpu.memory_space<vmem>>)
    %dma_wait3A_33 = arith.constant 0 : i32
    %dma_wait3A_34 = arith.constant 0 : i32
    %dma_wait3A_35 = tpu.memref_slice %arg4[%add3A, %dma_wait3A_33, %dma_wait3A_34] : memref<32x84x128xi32, #tpu.memory_space<hbm>> -> memref<1x84x128xi32, #tpu.memory_space<hbm>>
    %dma_wait3A_36 = tpu.memref_squeeze %dma_wait3A_35 : memref<1x84x128xi32, #tpu.memory_space<hbm>> -> memref<84x128xi32, #tpu.memory_space<hbm>>
    %dma_wait3A_37 = arith.constant 0 : i32
    %dma_wait3A_38 = arith.constant 0 : i32
    %dma_wait3A_39 = tpu.memref_slice %arg4[%add3A, %dma_wait3A_37, %dma_wait3A_38] : memref<32x84x128xi32, #tpu.memory_space<hbm>> -> memref<1x84x128xi32, #tpu.memory_space<hbm>>
    %dma_wait3A_40 = tpu.memref_squeeze %dma_wait3A_39 : memref<1x84x128xi32, #tpu.memory_space<hbm>> -> memref<84x128xi32, #tpu.memory_space<hbm>>
    tpu.wait_dma2 semaphore(%arg28 : memref<!tpu.dma_semaphore, #tpu.memory_space<semaphore_mem>>) src(%dma_wait3A_40 : memref<84x128xi32, #tpu.memory_space<hbm>>) dst(%arg7 : memref<84x128xi32, #tpu.memory_space<vmem>>)
    %dma_start3A_41 = arith.constant 0 : i32
    %dma_start3A_42 = arith.constant 0 : i32
    %dma_start3A_43 = tpu.memref_slice %arg6[%dma_start3A_41, %dma_start3A_42] : memref<84x128xi32, #tpu.memory_space<vmem>> -> memref<1x128xi32, #tpu.memory_space<vmem>>
    %dma_start3A_44 = tpu.memref_squeeze %dma_start3A_43 : memref<1x128xi32, #tpu.memory_space<vmem>> -> memref<128xi32, #tpu.memory_space<vmem>>
    %dma_start3A_45 = arith.constant 0 : i32
    %dma_start3A_46 = arith.constant 0 : i32
    %dma_start3A_47 = tpu.memref_slice %arg2[%dma_start3A_45, %dma_start3A_46] : memref<10240x48xf32, #tpu.memory_space<hbm>> -> memref<10240x48xf32, #tpu.memory_space<hbm>>
    tpu.enqueue_indirect_dma source(%dma_start3A_47 : memref<10240x48xf32, #tpu.memory_space<hbm>>) target(%arg8 : memref<128x48xf32, #tpu.memory_space<vmem>>) offsets(%dma_start3A_44 : memref<128xi32, #tpu.memory_space<vmem>>) semaphore(%arg15 : memref<!tpu.dma_semaphore, #tpu.memory_space<semaphore_mem>>)
    %dma_start3A_48 = arith.constant 1 : i32
    %dma_start3A_49 = arith.constant 0 : i32
    %dma_start3A_50 = tpu.memref_slice %arg6[%dma_start3A_48, %dma_start3A_49] : memref<84x128xi32, #tpu.memory_space<vmem>> -> memref<1x128xi32, #tpu.memory_space<vmem>>
    %dma_start3A_51 = tpu.memref_squeeze %dma_start3A_50 : memref<1x128xi32, #tpu.memory_space<vmem>> -> memref<128xi32, #tpu.memory_space<vmem>>
    %dma_start3A_52 = arith.constant 0 : i32
    %dma_start3A_53 = arith.constant 0 : i32
    %dma_start3A_54 = tpu.memref_slice %arg2[%dma_start3A_52, %dma_start3A_53] : memref<10240x48xf32, #tpu.memory_space<hbm>> -> memref<10240x48xf32, #tpu.memory_space<hbm>>
    tpu.enqueue_indirect_dma source(%dma_start3A_54 : memref<10240x48xf32, #tpu.memory_space<hbm>>) target(%arg9 : memref<128x48xf32, #tpu.memory_space<vmem>>) offsets(%dma_start3A_51 : memref<128xi32, #tpu.memory_space<vmem>>) semaphore(%arg16 : memref<!tpu.dma_semaphore, #tpu.memory_space<semaphore_mem>>)
    %dma_start3A_55 = arith.constant 2 : i32
    %dma_start3A_56 = arith.constant 0 : i32
    %dma_start3A_57 = tpu.memref_slice %arg6[%dma_start3A_55, %dma_start3A_56] : memref<84x128xi32, #tpu.memory_space<vmem>> -> memref<1x128xi32, #tpu.memory_space<vmem>>
    %dma_start3A_58 = tpu.memref_squeeze %dma_start3A_57 : memref<1x128xi32, #tpu.memory_space<vmem>> -> memref<128xi32, #tpu.memory_space<vmem>>
    %dma_start3A_59 = arith.constant 0 : i32
    %dma_start3A_60 = arith.constant 0 : i32
    %dma_start3A_61 = tpu.memref_slice %arg2[%dma_start3A_59, %dma_start3A_60] : memref<10240x48xf32, #tpu.memory_space<hbm>> -> memref<10240x48xf32, #tpu.memory_space<hbm>>
    tpu.enqueue_indirect_dma source(%dma_start3A_61 : memref<10240x48xf32, #tpu.memory_space<hbm>>) target(%arg10 : memref<128x48xf32, #tpu.memory_space<vmem>>) offsets(%dma_start3A_58 : memref<128xi32, #tpu.memory_space<vmem>>) semaphore(%arg17 : memref<!tpu.dma_semaphore, #tpu.memory_space<semaphore_mem>>)
    %dma_start3A_62 = arith.constant 3 : i32
    %dma_start3A_63 = arith.constant 0 : i32
    %dma_start3A_64 = tpu.memref_slice %arg6[%dma_start3A_62, %dma_start3A_63] : memref<84x128xi32, #tpu.memory_space<vmem>> -> memref<1x128xi32, #tpu.memory_space<vmem>>
    %dma_start3A_65 = tpu.memref_squeeze %dma_start3A_64 : memref<1x128xi32, #tpu.memory_space<vmem>> -> memref<128xi32, #tpu.memory_space<vmem>>
    %dma_start3A_66 = arith.constant 0 : i32
    %dma_start3A_67 = arith.constant 0 : i32
    %dma_start3A_68 = tpu.memref_slice %arg2[%dma_start3A_66, %dma_start3A_67] : memref<10240x48xf32, #tpu.memory_space<hbm>> -> memref<10240x48xf32, #tpu.memory_space<hbm>>
    tpu.enqueue_indirect_dma source(%dma_start3A_68 : memref<10240x48xf32, #tpu.memory_space<hbm>>) target(%arg11 : memref<128x48xf32, #tpu.memory_space<vmem>>) offsets(%dma_start3A_65 : memref<128xi32, #tpu.memory_space<vmem>>) semaphore(%arg18 : memref<!tpu.dma_semaphore, #tpu.memory_space<semaphore_mem>>)
    %dma_start3A_69 = arith.constant 4 : i32
    %dma_start3A_70 = arith.constant 0 : i32
    %dma_start3A_71 = tpu.memref_slice %arg6[%dma_start3A_69, %dma_start3A_70] : memref<84x128xi32, #tpu.memory_space<vmem>> -> memref<1x128xi32, #tpu.memory_space<vmem>>
    %dma_start3A_72 = tpu.memref_squeeze %dma_start3A_71 : memref<1x128xi32, #tpu.memory_space<vmem>> -> memref<128xi32, #tpu.memory_space<vmem>>
    %dma_start3A_73 = arith.constant 0 : i32
    %dma_start3A_74 = arith.constant 0 : i32
    %dma_start3A_75 = tpu.memref_slice %arg2[%dma_start3A_73, %dma_start3A_74] : memref<10240x48xf32, #tpu.memory_space<hbm>> -> memref<10240x48xf32, #tpu.memory_space<hbm>>
    tpu.enqueue_indirect_dma source(%dma_start3A_75 : memref<10240x48xf32, #tpu.memory_space<hbm>>) target(%arg12 : memref<128x48xf32, #tpu.memory_space<vmem>>) offsets(%dma_start3A_72 : memref<128xi32, #tpu.memory_space<vmem>>) semaphore(%arg19 : memref<!tpu.dma_semaphore, #tpu.memory_space<semaphore_mem>>)
    %dma_start3A_76 = arith.constant 5 : i32
    %dma_start3A_77 = arith.constant 0 : i32
    %dma_start3A_78 = tpu.memref_slice %arg6[%dma_start3A_76, %dma_start3A_77] : memref<84x128xi32, #tpu.memory_space<vmem>> -> memref<1x128xi32, #tpu.memory_space<vmem>>
    %dma_start3A_79 = tpu.memref_squeeze %dma_start3A_78 : memref<1x128xi32, #tpu.memory_space<vmem>> -> memref<128xi32, #tpu.memory_space<vmem>>
    %dma_start3A_80 = arith.constant 0 : i32
    %dma_start3A_81 = arith.constant 0 : i32
    %dma_start3A_82 = tpu.memref_slice %arg2[%dma_start3A_80, %dma_start3A_81] : memref<10240x48xf32, #tpu.memory_space<hbm>> -> memref<10240x48xf32, #tpu.memory_space<hbm>>
    tpu.enqueue_indirect_dma source(%dma_start3A_82 : memref<10240x48xf32, #tpu.memory_space<hbm>>) target(%arg13 : memref<128x48xf32, #tpu.memory_space<vmem>>) offsets(%dma_start3A_79 : memref<128xi32, #tpu.memory_space<vmem>>) semaphore(%arg20 : memref<!tpu.dma_semaphore, #tpu.memory_space<semaphore_mem>>)
    %scan3A_83 = arith.constant 0 : i32
    %scan3A_84 = arith.constant 14 : i32
    %scan3A_85 = arith.addi %scan3A_83, %scan3A_84 : i32
    %scan3A_86 = arith.constant 1 : i32
    scf.for %scan3A_135 = %scan3A_83 to %scan3A_85 step %scan3A_86  : i32 {
      %mul3A_136 = arith.constant 6 : i32
      %mul3A_137 = arith.muli %scan3A_135, %mul3A_136 : i32
      %add3A_138 = arith.constant 0 : i32
      %add3A_139 = arith.addi %add3A_138, %mul3A_137 : i32
      %add3A_140 = arith.constant 0 : i32
      %add3A_141 = arith.addi %add3A_139, %add3A_140 : i32
      %dma_wait3A_142 = arith.constant 0 : i32
      %dma_wait3A_143 = tpu.memref_slice %arg6[%add3A_141, %dma_wait3A_142] : memref<84x128xi32, #tpu.memory_space<vmem>> -> memref<1x128xi32, #tpu.memory_space<vmem>>
      %dma_wait3A_144 = tpu.memref_squeeze %dma_wait3A_143 : memref<1x128xi32, #tpu.memory_space<vmem>> -> memref<128xi32, #tpu.memory_space<vmem>>
      %dma_wait3A_145 = arith.constant 0 : i32
      %dma_wait3A_146 = arith.constant 0 : i32
      %dma_wait3A_147 = tpu.memref_slice %arg2[%dma_wait3A_145, %dma_wait3A_146] : memref<10240x48xf32, #tpu.memory_space<hbm>> -> memref<10240x48xf32, #tpu.memory_space<hbm>>
      tpu.wait_indirect_dma semaphore(%arg15 : memref<!tpu.dma_semaphore, #tpu.memory_space<semaphore_mem>>) src(%dma_wait3A_147 : memref<10240x48xf32, #tpu.memory_space<hbm>>) dst(%arg8 : memref<128x48xf32, #tpu.memory_space<vmem>>)
      %add3A_148 = arith.constant 0 : i32
      %add3A_149 = arith.addi %add3A_139, %add3A_148 : i32
      %dma_start3A_150 = arith.constant 0 : i32
      %dma_start3A_151 = tpu.memref_slice %arg7[%add3A_149, %dma_start3A_150] : memref<84x128xi32, #tpu.memory_space<vmem>> -> memref<1x128xi32, #tpu.memory_space<vmem>>
      %dma_start3A_152 = tpu.memref_squeeze %dma_start3A_151 : memref<1x128xi32, #tpu.memory_space<vmem>> -> memref<128xi32, #tpu.memory_space<vmem>>
      %dma_start3A_153 = arith.constant 0 : i32
      %dma_start3A_154 = arith.constant 0 : i32
      %dma_start3A_155 = tpu.memref_slice %arg14[%dma_start3A_153, %dma_start3A_154] : memref<10240x48xf32, #tpu.memory_space<vmem_shared>> -> memref<10240x48xf32, #tpu.memory_space<vmem_shared>>
      tpu.enqueue_indirect_dma source(%arg8 : memref<128x48xf32, #tpu.memory_space<vmem>>) target(%dma_start3A_155 : memref<10240x48xf32, #tpu.memory_space<vmem_shared>>) offsets(%dma_start3A_152 : memref<128xi32, #tpu.memory_space<vmem>>) semaphore(%arg21 : memref<!tpu.dma_semaphore, #tpu.memory_space<semaphore_mem>>) {add = true}
      %add3A_156 = arith.constant 1 : i32
      %add3A_157 = arith.addi %add3A_139, %add3A_156 : i32
      %dma_wait3A_158 = arith.constant 0 : i32
      %dma_wait3A_159 = tpu.memref_slice %arg6[%add3A_157, %dma_wait3A_158] : memref<84x128xi32, #tpu.memory_space<vmem>> -> memref<1x128xi32, #tpu.memory_space<vmem>>
      %dma_wait3A_160 = tpu.memref_squeeze %dma_wait3A_159 : memref<1x128xi32, #tpu.memory_space<vmem>> -> memref<128xi32, #tpu.memory_space<vmem>>
      %dma_wait3A_161 = arith.constant 0 : i32
      %dma_wait3A_162 = arith.constant 0 : i32
      %dma_wait3A_163 = tpu.memref_slice %arg2[%dma_wait3A_161, %dma_wait3A_162] : memref<10240x48xf32, #tpu.memory_space<hbm>> -> memref<10240x48xf32, #tpu.memory_space<hbm>>
      tpu.wait_indirect_dma semaphore(%arg16 : memref<!tpu.dma_semaphore, #tpu.memory_space<semaphore_mem>>) src(%dma_wait3A_163 : memref<10240x48xf32, #tpu.memory_space<hbm>>) dst(%arg9 : memref<128x48xf32, #tpu.memory_space<vmem>>)
      %add3A_164 = arith.constant 1 : i32
      %add3A_165 = arith.addi %add3A_139, %add3A_164 : i32
      %dma_start3A_166 = arith.constant 0 : i32
      %dma_start3A_167 = tpu.memref_slice %arg7[%add3A_165, %dma_start3A_166] : memref<84x128xi32, #tpu.memory_space<vmem>> -> memref<1x128xi32, #tpu.memory_space<vmem>>
      %dma_start3A_168 = tpu.memref_squeeze %dma_start3A_167 : memref<1x128xi32, #tpu.memory_space<vmem>> -> memref<128xi32, #tpu.memory_space<vmem>>
      %dma_start3A_169 = arith.constant 0 : i32
      %dma_start3A_170 = arith.constant 0 : i32
      %dma_start3A_171 = tpu.memref_slice %arg14[%dma_start3A_169, %dma_start3A_170] : memref<10240x48xf32, #tpu.memory_space<vmem_shared>> -> memref<10240x48xf32, #tpu.memory_space<vmem_shared>>
      tpu.enqueue_indirect_dma source(%arg9 : memref<128x48xf32, #tpu.memory_space<vmem>>) target(%dma_start3A_171 : memref<10240x48xf32, #tpu.memory_space<vmem_shared>>) offsets(%dma_start3A_168 : memref<128xi32, #tpu.memory_space<vmem>>) semaphore(%arg22 : memref<!tpu.dma_semaphore, #tpu.memory_space<semaphore_mem>>) {add = true}
      %add3A_172 = arith.constant 2 : i32
      %add3A_173 = arith.addi %add3A_139, %add3A_172 : i32
      %dma_wait3A_174 = arith.constant 0 : i32
      %dma_wait3A_175 = tpu.memref_slice %arg6[%add3A_173, %dma_wait3A_174] : memref<84x128xi32, #tpu.memory_space<vmem>> -> memref<1x128xi32, #tpu.memory_space<vmem>>
      %dma_wait3A_176 = tpu.memref_squeeze %dma_wait3A_175 : memref<1x128xi32, #tpu.memory_space<vmem>> -> memref<128xi32, #tpu.memory_space<vmem>>
      %dma_wait3A_177 = arith.constant 0 : i32
      %dma_wait3A_178 = arith.constant 0 : i32
      %dma_wait3A_179 = tpu.memref_slice %arg2[%dma_wait3A_177, %dma_wait3A_178] : memref<10240x48xf32, #tpu.memory_space<hbm>> -> memref<10240x48xf32, #tpu.memory_space<hbm>>
      tpu.wait_indirect_dma semaphore(%arg17 : memref<!tpu.dma_semaphore, #tpu.memory_space<semaphore_mem>>) src(%dma_wait3A_179 : memref<10240x48xf32, #tpu.memory_space<hbm>>) dst(%arg10 : memref<128x48xf32, #tpu.memory_space<vmem>>)
      %add3A_180 = arith.constant 2 : i32
      %add3A_181 = arith.addi %add3A_139, %add3A_180 : i32
      %dma_start3A_182 = arith.constant 0 : i32
      %dma_start3A_183 = tpu.memref_slice %arg7[%add3A_181, %dma_start3A_182] : memref<84x128xi32, #tpu.memory_space<vmem>> -> memref<1x128xi32, #tpu.memory_space<vmem>>
      %dma_start3A_184 = tpu.memref_squeeze %dma_start3A_183 : memref<1x128xi32, #tpu.memory_space<vmem>> -> memref<128xi32, #tpu.memory_space<vmem>>
      %dma_start3A_185 = arith.constant 0 : i32
      %dma_start3A_186 = arith.constant 0 : i32
      %dma_start3A_187 = tpu.memref_slice %arg14[%dma_start3A_185, %dma_start3A_186] : memref<10240x48xf32, #tpu.memory_space<vmem_shared>> -> memref<10240x48xf32, #tpu.memory_space<vmem_shared>>
      tpu.enqueue_indirect_dma source(%arg10 : memref<128x48xf32, #tpu.memory_space<vmem>>) target(%dma_start3A_187 : memref<10240x48xf32, #tpu.memory_space<vmem_shared>>) offsets(%dma_start3A_184 : memref<128xi32, #tpu.memory_space<vmem>>) semaphore(%arg23 : memref<!tpu.dma_semaphore, #tpu.memory_space<semaphore_mem>>) {add = true}
      %add3A_188 = arith.constant 3 : i32
      %add3A_189 = arith.addi %add3A_139, %add3A_188 : i32
      %dma_wait3A_190 = arith.constant 0 : i32
      %dma_wait3A_191 = tpu.memref_slice %arg6[%add3A_189, %dma_wait3A_190] : memref<84x128xi32, #tpu.memory_space<vmem>> -> memref<1x128xi32, #tpu.memory_space<vmem>>
      %dma_wait3A_192 = tpu.memref_squeeze %dma_wait3A_191 : memref<1x128xi32, #tpu.memory_space<vmem>> -> memref<128xi32, #tpu.memory_space<vmem>>
      %dma_wait3A_193 = arith.constant 0 : i32
      %dma_wait3A_194 = arith.constant 0 : i32
      %dma_wait3A_195 = tpu.memref_slice %arg2[%dma_wait3A_193, %dma_wait3A_194] : memref<10240x48xf32, #tpu.memory_space<hbm>> -> memref<10240x48xf32, #tpu.memory_space<hbm>>
      tpu.wait_indirect_dma semaphore(%arg18 : memref<!tpu.dma_semaphore, #tpu.memory_space<semaphore_mem>>) src(%dma_wait3A_195 : memref<10240x48xf32, #tpu.memory_space<hbm>>) dst(%arg11 : memref<128x48xf32, #tpu.memory_space<vmem>>)
      %add3A_196 = arith.constant 3 : i32
      %add3A_197 = arith.addi %add3A_139, %add3A_196 : i32
      %dma_start3A_198 = arith.constant 0 : i32
      %dma_start3A_199 = tpu.memref_slice %arg7[%add3A_197, %dma_start3A_198] : memref<84x128xi32, #tpu.memory_space<vmem>> -> memref<1x128xi32, #tpu.memory_space<vmem>>
      %dma_start3A_200 = tpu.memref_squeeze %dma_start3A_199 : memref<1x128xi32, #tpu.memory_space<vmem>> -> memref<128xi32, #tpu.memory_space<vmem>>
      %dma_start3A_201 = arith.constant 0 : i32
      %dma_start3A_202 = arith.constant 0 : i32
      %dma_start3A_203 = tpu.memref_slice %arg14[%dma_start3A_201, %dma_start3A_202] : memref<10240x48xf32, #tpu.memory_space<vmem_shared>> -> memref<10240x48xf32, #tpu.memory_space<vmem_shared>>
      tpu.enqueue_indirect_dma source(%arg11 : memref<128x48xf32, #tpu.memory_space<vmem>>) target(%dma_start3A_203 : memref<10240x48xf32, #tpu.memory_space<vmem_shared>>) offsets(%dma_start3A_200 : memref<128xi32, #tpu.memory_space<vmem>>) semaphore(%arg24 : memref<!tpu.dma_semaphore, #tpu.memory_space<semaphore_mem>>) {add = true}
      %add3A_204 = arith.constant 4 : i32
      %add3A_205 = arith.addi %add3A_139, %add3A_204 : i32
      %dma_wait3A_206 = arith.constant 0 : i32
      %dma_wait3A_207 = tpu.memref_slice %arg6[%add3A_205, %dma_wait3A_206] : memref<84x128xi32, #tpu.memory_space<vmem>> -> memref<1x128xi32, #tpu.memory_space<vmem>>
      %dma_wait3A_208 = tpu.memref_squeeze %dma_wait3A_207 : memref<1x128xi32, #tpu.memory_space<vmem>> -> memref<128xi32, #tpu.memory_space<vmem>>
      %dma_wait3A_209 = arith.constant 0 : i32
      %dma_wait3A_210 = arith.constant 0 : i32
      %dma_wait3A_211 = tpu.memref_slice %arg2[%dma_wait3A_209, %dma_wait3A_210] : memref<10240x48xf32, #tpu.memory_space<hbm>> -> memref<10240x48xf32, #tpu.memory_space<hbm>>
      tpu.wait_indirect_dma semaphore(%arg19 : memref<!tpu.dma_semaphore, #tpu.memory_space<semaphore_mem>>) src(%dma_wait3A_211 : memref<10240x48xf32, #tpu.memory_space<hbm>>) dst(%arg12 : memref<128x48xf32, #tpu.memory_space<vmem>>)
      %add3A_212 = arith.constant 4 : i32
      %add3A_213 = arith.addi %add3A_139, %add3A_212 : i32
      %dma_start3A_214 = arith.constant 0 : i32
      %dma_start3A_215 = tpu.memref_slice %arg7[%add3A_213, %dma_start3A_214] : memref<84x128xi32, #tpu.memory_space<vmem>> -> memref<1x128xi32, #tpu.memory_space<vmem>>
      %dma_start3A_216 = tpu.memref_squeeze %dma_start3A_215 : memref<1x128xi32, #tpu.memory_space<vmem>> -> memref<128xi32, #tpu.memory_space<vmem>>
      %dma_start3A_217 = arith.constant 0 : i32
      %dma_start3A_218 = arith.constant 0 : i32
      %dma_start3A_219 = tpu.memref_slice %arg14[%dma_start3A_217, %dma_start3A_218] : memref<10240x48xf32, #tpu.memory_space<vmem_shared>> -> memref<10240x48xf32, #tpu.memory_space<vmem_shared>>
      tpu.enqueue_indirect_dma source(%arg12 : memref<128x48xf32, #tpu.memory_space<vmem>>) target(%dma_start3A_219 : memref<10240x48xf32, #tpu.memory_space<vmem_shared>>) offsets(%dma_start3A_216 : memref<128xi32, #tpu.memory_space<vmem>>) semaphore(%arg25 : memref<!tpu.dma_semaphore, #tpu.memory_space<semaphore_mem>>) {add = true}
      %add3A_220 = arith.constant 5 : i32
      %add3A_221 = arith.addi %add3A_139, %add3A_220 : i32
      %dma_wait3A_222 = arith.constant 0 : i32
      %dma_wait3A_223 = tpu.memref_slice %arg6[%add3A_221, %dma_wait3A_222] : memref<84x128xi32, #tpu.memory_space<vmem>> -> memref<1x128xi32, #tpu.memory_space<vmem>>
      %dma_wait3A_224 = tpu.memref_squeeze %dma_wait3A_223 : memref<1x128xi32, #tpu.memory_space<vmem>> -> memref<128xi32, #tpu.memory_space<vmem>>
      %dma_wait3A_225 = arith.constant 0 : i32
      %dma_wait3A_226 = arith.constant 0 : i32
      %dma_wait3A_227 = tpu.memref_slice %arg2[%dma_wait3A_225, %dma_wait3A_226] : memref<10240x48xf32, #tpu.memory_space<hbm>> -> memref<10240x48xf32, #tpu.memory_space<hbm>>
      tpu.wait_indirect_dma semaphore(%arg20 : memref<!tpu.dma_semaphore, #tpu.memory_space<semaphore_mem>>) src(%dma_wait3A_227 : memref<10240x48xf32, #tpu.memory_space<hbm>>) dst(%arg13 : memref<128x48xf32, #tpu.memory_space<vmem>>)
      %add3A_228 = arith.constant 5 : i32
      %add3A_229 = arith.addi %add3A_139, %add3A_228 : i32
      %dma_start3A_230 = arith.constant 0 : i32
      %dma_start3A_231 = tpu.memref_slice %arg7[%add3A_229, %dma_start3A_230] : memref<84x128xi32, #tpu.memory_space<vmem>> -> memref<1x128xi32, #tpu.memory_space<vmem>>
      %dma_start3A_232 = tpu.memref_squeeze %dma_start3A_231 : memref<1x128xi32, #tpu.memory_space<vmem>> -> memref<128xi32, #tpu.memory_space<vmem>>
      %dma_start3A_233 = arith.constant 0 : i32
      %dma_start3A_234 = arith.constant 0 : i32
      %dma_start3A_235 = tpu.memref_slice %arg14[%dma_start3A_233, %dma_start3A_234] : memref<10240x48xf32, #tpu.memory_space<vmem_shared>> -> memref<10240x48xf32, #tpu.memory_space<vmem_shared>>
      tpu.enqueue_indirect_dma source(%arg13 : memref<128x48xf32, #tpu.memory_space<vmem>>) target(%dma_start3A_235 : memref<10240x48xf32, #tpu.memory_space<vmem_shared>>) offsets(%dma_start3A_232 : memref<128xi32, #tpu.memory_space<vmem>>) semaphore(%arg26 : memref<!tpu.dma_semaphore, #tpu.memory_space<semaphore_mem>>) {add = true}
      %add3A_236 = arith.constant 6 : i32
      %add3A_237 = arith.addi %add3A_139, %add3A_236 : i32
      %add3A_238 = arith.constant 0 : i32
      %add3A_239 = arith.addi %add3A_237, %add3A_238 : i32
      %lt3A = arith.constant 84 : i32
      %lt3A_240 = arith.cmpi slt, %add3A_239, %lt3A : i32
      %convert_element_type3A = arith.extui %lt3A_240 : i1 to i32
      %cond3A = arith.constant 0 : i32
      %cond3A_241 = arith.cmpi ne, %convert_element_type3A, %cond3A : i32
      scf.if %cond3A_241 {
        %add3A_287 = arith.constant 0 : i32
        %add3A_288 = arith.addi %add3A_139, %add3A_287 : i32
        %dma_wait3A_289 = arith.constant 0 : i32
        %dma_wait3A_290 = tpu.memref_slice %arg7[%add3A_288, %dma_wait3A_289] : memref<84x128xi32, #tpu.memory_space<vmem>> -> memref<1x128xi32, #tpu.memory_space<vmem>>
        %dma_wait3A_291 = tpu.memref_squeeze %dma_wait3A_290 : memref<1x128xi32, #tpu.memory_space<vmem>> -> memref<128xi32, #tpu.memory_space<vmem>>
        %dma_wait3A_292 = arith.constant 0 : i32
        %dma_wait3A_293 = arith.constant 0 : i32
        %dma_wait3A_294 = tpu.memref_slice %arg14[%dma_wait3A_292, %dma_wait3A_293] : memref<10240x48xf32, #tpu.memory_space<vmem_shared>> -> memref<10240x48xf32, #tpu.memory_space<vmem_shared>>
        tpu.wait_indirect_dma semaphore(%arg21 : memref<!tpu.dma_semaphore, #tpu.memory_space<semaphore_mem>>) src(%arg8 : memref<128x48xf32, #tpu.memory_space<vmem>>) dst(%dma_wait3A_294 : memref<10240x48xf32, #tpu.memory_space<vmem_shared>>)
        %add3A_295 = arith.constant 6 : i32
        %add3A_296 = arith.addi %add3A_139, %add3A_295 : i32
        %add3A_297 = arith.constant 0 : i32
        %add3A_298 = arith.addi %add3A_296, %add3A_297 : i32
        %dma_start3A_299 = arith.constant 0 : i32
        %dma_start3A_300 = tpu.memref_slice %arg6[%add3A_298, %dma_start3A_299] : memref<84x128xi32, #tpu.memory_space<vmem>> -> memref<1x128xi32, #tpu.memory_space<vmem>>
        %dma_start3A_301 = tpu.memref_squeeze %dma_start3A_300 : memref<1x128xi32, #tpu.memory_space<vmem>> -> memref<128xi32, #tpu.memory_space<vmem>>
        %dma_start3A_302 = arith.constant 0 : i32
        %dma_start3A_303 = arith.constant 0 : i32
        %dma_start3A_304 = tpu.memref_slice %arg2[%dma_start3A_302, %dma_start3A_303] : memref<10240x48xf32, #tpu.memory_space<hbm>> -> memref<10240x48xf32, #tpu.memory_space<hbm>>
        tpu.enqueue_indirect_dma source(%dma_start3A_304 : memref<10240x48xf32, #tpu.memory_space<hbm>>) target(%arg8 : memref<128x48xf32, #tpu.memory_space<vmem>>) offsets(%dma_start3A_301 : memref<128xi32, #tpu.memory_space<vmem>>) semaphore(%arg15 : memref<!tpu.dma_semaphore, #tpu.memory_space<semaphore_mem>>)
      } else {
      }
      %add3A_242 = arith.constant 6 : i32
      %add3A_243 = arith.addi %add3A_139, %add3A_242 : i32
      %add3A_244 = arith.constant 1 : i32
      %add3A_245 = arith.addi %add3A_243, %add3A_244 : i32
      %lt3A_246 = arith.constant 84 : i32
      %lt3A_247 = arith.cmpi slt, %add3A_245, %lt3A_246 : i32
      %convert_element_type3A_248 = arith.extui %lt3A_247 : i1 to i32
      %cond3A_249 = arith.constant 0 : i32
      %cond3A_250 = arith.cmpi ne, %convert_element_type3A_248, %cond3A_249 : i32
      scf.if %cond3A_250 {
        %add3A_287 = arith.constant 1 : i32
        %add3A_288 = arith.addi %add3A_139, %add3A_287 : i32
        %dma_wait3A_289 = arith.constant 0 : i32
        %dma_wait3A_290 = tpu.memref_slice %arg7[%add3A_288, %dma_wait3A_289] : memref<84x128xi32, #tpu.memory_space<vmem>> -> memref<1x128xi32, #tpu.memory_space<vmem>>
        %dma_wait3A_291 = tpu.memref_squeeze %dma_wait3A_290 : memref<1x128xi32, #tpu.memory_space<vmem>> -> memref<128xi32, #tpu.memory_space<vmem>>
        %dma_wait3A_292 = arith.constant 0 : i32
        %dma_wait3A_293 = arith.constant 0 : i32
        %dma_wait3A_294 = tpu.memref_slice %arg14[%dma_wait3A_292, %dma_wait3A_293] : memref<10240x48xf32, #tpu.memory_space<vmem_shared>> -> memref<10240x48xf32, #tpu.memory_space<vmem_shared>>
        tpu.wait_indirect_dma semaphore(%arg22 : memref<!tpu.dma_semaphore, #tpu.memory_space<semaphore_mem>>) src(%arg9 : memref<128x48xf32, #tpu.memory_space<vmem>>) dst(%dma_wait3A_294 : memref<10240x48xf32, #tpu.memory_space<vmem_shared>>)
        %add3A_295 = arith.constant 6 : i32
        %add3A_296 = arith.addi %add3A_139, %add3A_295 : i32
        %add3A_297 = arith.constant 1 : i32
        %add3A_298 = arith.addi %add3A_296, %add3A_297 : i32
        %dma_start3A_299 = arith.constant 0 : i32
        %dma_start3A_300 = tpu.memref_slice %arg6[%add3A_298, %dma_start3A_299] : memref<84x128xi32, #tpu.memory_space<vmem>> -> memref<1x128xi32, #tpu.memory_space<vmem>>
        %dma_start3A_301 = tpu.memref_squeeze %dma_start3A_300 : memref<1x128xi32, #tpu.memory_space<vmem>> -> memref<128xi32, #tpu.memory_space<vmem>>
        %dma_start3A_302 = arith.constant 0 : i32
        %dma_start3A_303 = arith.constant 0 : i32
        %dma_start3A_304 = tpu.memref_slice %arg2[%dma_start3A_302, %dma_start3A_303] : memref<10240x48xf32, #tpu.memory_space<hbm>> -> memref<10240x48xf32, #tpu.memory_space<hbm>>
        tpu.enqueue_indirect_dma source(%dma_start3A_304 : memref<10240x48xf32, #tpu.memory_space<hbm>>) target(%arg9 : memref<128x48xf32, #tpu.memory_space<vmem>>) offsets(%dma_start3A_301 : memref<128xi32, #tpu.memory_space<vmem>>) semaphore(%arg16 : memref<!tpu.dma_semaphore, #tpu.memory_space<semaphore_mem>>)
      } else {
      }
      %add3A_251 = arith.constant 6 : i32
      %add3A_252 = arith.addi %add3A_139, %add3A_251 : i32
      %add3A_253 = arith.constant 2 : i32
      %add3A_254 = arith.addi %add3A_252, %add3A_253 : i32
      %lt3A_255 = arith.constant 84 : i32
      %lt3A_256 = arith.cmpi slt, %add3A_254, %lt3A_255 : i32
      %convert_element_type3A_257 = arith.extui %lt3A_256 : i1 to i32
      %cond3A_258 = arith.constant 0 : i32
      %cond3A_259 = arith.cmpi ne, %convert_element_type3A_257, %cond3A_258 : i32
      scf.if %cond3A_259 {
        %add3A_287 = arith.constant 2 : i32
        %add3A_288 = arith.addi %add3A_139, %add3A_287 : i32
        %dma_wait3A_289 = arith.constant 0 : i32
        %dma_wait3A_290 = tpu.memref_slice %arg7[%add3A_288, %dma_wait3A_289] : memref<84x128xi32, #tpu.memory_space<vmem>> -> memref<1x128xi32, #tpu.memory_space<vmem>>
        %dma_wait3A_291 = tpu.memref_squeeze %dma_wait3A_290 : memref<1x128xi32, #tpu.memory_space<vmem>> -> memref<128xi32, #tpu.memory_space<vmem>>
        %dma_wait3A_292 = arith.constant 0 : i32
        %dma_wait3A_293 = arith.constant 0 : i32
        %dma_wait3A_294 = tpu.memref_slice %arg14[%dma_wait3A_292, %dma_wait3A_293] : memref<10240x48xf32, #tpu.memory_space<vmem_shared>> -> memref<10240x48xf32, #tpu.memory_space<vmem_shared>>
        tpu.wait_indirect_dma semaphore(%arg23 : memref<!tpu.dma_semaphore, #tpu.memory_space<semaphore_mem>>) src(%arg10 : memref<128x48xf32, #tpu.memory_space<vmem>>) dst(%dma_wait3A_294 : memref<10240x48xf32, #tpu.memory_space<vmem_shared>>)
        %add3A_295 = arith.constant 6 : i32
        %add3A_296 = arith.addi %add3A_139, %add3A_295 : i32
        %add3A_297 = arith.constant 2 : i32
        %add3A_298 = arith.addi %add3A_296, %add3A_297 : i32
        %dma_start3A_299 = arith.constant 0 : i32
        %dma_start3A_300 = tpu.memref_slice %arg6[%add3A_298, %dma_start3A_299] : memref<84x128xi32, #tpu.memory_space<vmem>> -> memref<1x128xi32, #tpu.memory_space<vmem>>
        %dma_start3A_301 = tpu.memref_squeeze %dma_start3A_300 : memref<1x128xi32, #tpu.memory_space<vmem>> -> memref<128xi32, #tpu.memory_space<vmem>>
        %dma_start3A_302 = arith.constant 0 : i32
        %dma_start3A_303 = arith.constant 0 : i32
        %dma_start3A_304 = tpu.memref_slice %arg2[%dma_start3A_302, %dma_start3A_303] : memref<10240x48xf32, #tpu.memory_space<hbm>> -> memref<10240x48xf32, #tpu.memory_space<hbm>>
        tpu.enqueue_indirect_dma source(%dma_start3A_304 : memref<10240x48xf32, #tpu.memory_space<hbm>>) target(%arg10 : memref<128x48xf32, #tpu.memory_space<vmem>>) offsets(%dma_start3A_301 : memref<128xi32, #tpu.memory_space<vmem>>) semaphore(%arg17 : memref<!tpu.dma_semaphore, #tpu.memory_space<semaphore_mem>>)
      } else {
      }
      %add3A_260 = arith.constant 6 : i32
      %add3A_261 = arith.addi %add3A_139, %add3A_260 : i32
      %add3A_262 = arith.constant 3 : i32
      %add3A_263 = arith.addi %add3A_261, %add3A_262 : i32
      %lt3A_264 = arith.constant 84 : i32
      %lt3A_265 = arith.cmpi slt, %add3A_263, %lt3A_264 : i32
      %convert_element_type3A_266 = arith.extui %lt3A_265 : i1 to i32
      %cond3A_267 = arith.constant 0 : i32
      %cond3A_268 = arith.cmpi ne, %convert_element_type3A_266, %cond3A_267 : i32
      scf.if %cond3A_268 {
        %add3A_287 = arith.constant 3 : i32
        %add3A_288 = arith.addi %add3A_139, %add3A_287 : i32
        %dma_wait3A_289 = arith.constant 0 : i32
        %dma_wait3A_290 = tpu.memref_slice %arg7[%add3A_288, %dma_wait3A_289] : memref<84x128xi32, #tpu.memory_space<vmem>> -> memref<1x128xi32, #tpu.memory_space<vmem>>
        %dma_wait3A_291 = tpu.memref_squeeze %dma_wait3A_290 : memref<1x128xi32, #tpu.memory_space<vmem>> -> memref<128xi32, #tpu.memory_space<vmem>>
        %dma_wait3A_292 = arith.constant 0 : i32
        %dma_wait3A_293 = arith.constant 0 : i32
        %dma_wait3A_294 = tpu.memref_slice %arg14[%dma_wait3A_292, %dma_wait3A_293] : memref<10240x48xf32, #tpu.memory_space<vmem_shared>> -> memref<10240x48xf32, #tpu.memory_space<vmem_shared>>
        tpu.wait_indirect_dma semaphore(%arg24 : memref<!tpu.dma_semaphore, #tpu.memory_space<semaphore_mem>>) src(%arg11 : memref<128x48xf32, #tpu.memory_space<vmem>>) dst(%dma_wait3A_294 : memref<10240x48xf32, #tpu.memory_space<vmem_shared>>)
        %add3A_295 = arith.constant 6 : i32
        %add3A_296 = arith.addi %add3A_139, %add3A_295 : i32
        %add3A_297 = arith.constant 3 : i32
        %add3A_298 = arith.addi %add3A_296, %add3A_297 : i32
        %dma_start3A_299 = arith.constant 0 : i32
        %dma_start3A_300 = tpu.memref_slice %arg6[%add3A_298, %dma_start3A_299] : memref<84x128xi32, #tpu.memory_space<vmem>> -> memref<1x128xi32, #tpu.memory_space<vmem>>
        %dma_start3A_301 = tpu.memref_squeeze %dma_start3A_300 : memref<1x128xi32, #tpu.memory_space<vmem>> -> memref<128xi32, #tpu.memory_space<vmem>>
        %dma_start3A_302 = arith.constant 0 : i32
        %dma_start3A_303 = arith.constant 0 : i32
        %dma_start3A_304 = tpu.memref_slice %arg2[%dma_start3A_302, %dma_start3A_303] : memref<10240x48xf32, #tpu.memory_space<hbm>> -> memref<10240x48xf32, #tpu.memory_space<hbm>>
        tpu.enqueue_indirect_dma source(%dma_start3A_304 : memref<10240x48xf32, #tpu.memory_space<hbm>>) target(%arg11 : memref<128x48xf32, #tpu.memory_space<vmem>>) offsets(%dma_start3A_301 : memref<128xi32, #tpu.memory_space<vmem>>) semaphore(%arg18 : memref<!tpu.dma_semaphore, #tpu.memory_space<semaphore_mem>>)
      } else {
      }
      %add3A_269 = arith.constant 6 : i32
      %add3A_270 = arith.addi %add3A_139, %add3A_269 : i32
      %add3A_271 = arith.constant 4 : i32
      %add3A_272 = arith.addi %add3A_270, %add3A_271 : i32
      %lt3A_273 = arith.constant 84 : i32
      %lt3A_274 = arith.cmpi slt, %add3A_272, %lt3A_273 : i32
      %convert_element_type3A_275 = arith.extui %lt3A_274 : i1 to i32
      %cond3A_276 = arith.constant 0 : i32
      %cond3A_277 = arith.cmpi ne, %convert_element_type3A_275, %cond3A_276 : i32
      scf.if %cond3A_277 {
        %add3A_287 = arith.constant 4 : i32
        %add3A_288 = arith.addi %add3A_139, %add3A_287 : i32
        %dma_wait3A_289 = arith.constant 0 : i32
        %dma_wait3A_290 = tpu.memref_slice %arg7[%add3A_288, %dma_wait3A_289] : memref<84x128xi32, #tpu.memory_space<vmem>> -> memref<1x128xi32, #tpu.memory_space<vmem>>
        %dma_wait3A_291 = tpu.memref_squeeze %dma_wait3A_290 : memref<1x128xi32, #tpu.memory_space<vmem>> -> memref<128xi32, #tpu.memory_space<vmem>>
        %dma_wait3A_292 = arith.constant 0 : i32
        %dma_wait3A_293 = arith.constant 0 : i32
        %dma_wait3A_294 = tpu.memref_slice %arg14[%dma_wait3A_292, %dma_wait3A_293] : memref<10240x48xf32, #tpu.memory_space<vmem_shared>> -> memref<10240x48xf32, #tpu.memory_space<vmem_shared>>
        tpu.wait_indirect_dma semaphore(%arg25 : memref<!tpu.dma_semaphore, #tpu.memory_space<semaphore_mem>>) src(%arg12 : memref<128x48xf32, #tpu.memory_space<vmem>>) dst(%dma_wait3A_294 : memref<10240x48xf32, #tpu.memory_space<vmem_shared>>)
        %add3A_295 = arith.constant 6 : i32
        %add3A_296 = arith.addi %add3A_139, %add3A_295 : i32
        %add3A_297 = arith.constant 4 : i32
        %add3A_298 = arith.addi %add3A_296, %add3A_297 : i32
        %dma_start3A_299 = arith.constant 0 : i32
        %dma_start3A_300 = tpu.memref_slice %arg6[%add3A_298, %dma_start3A_299] : memref<84x128xi32, #tpu.memory_space<vmem>> -> memref<1x128xi32, #tpu.memory_space<vmem>>
        %dma_start3A_301 = tpu.memref_squeeze %dma_start3A_300 : memref<1x128xi32, #tpu.memory_space<vmem>> -> memref<128xi32, #tpu.memory_space<vmem>>
        %dma_start3A_302 = arith.constant 0 : i32
        %dma_start3A_303 = arith.constant 0 : i32
        %dma_start3A_304 = tpu.memref_slice %arg2[%dma_start3A_302, %dma_start3A_303] : memref<10240x48xf32, #tpu.memory_space<hbm>> -> memref<10240x48xf32, #tpu.memory_space<hbm>>
        tpu.enqueue_indirect_dma source(%dma_start3A_304 : memref<10240x48xf32, #tpu.memory_space<hbm>>) target(%arg12 : memref<128x48xf32, #tpu.memory_space<vmem>>) offsets(%dma_start3A_301 : memref<128xi32, #tpu.memory_space<vmem>>) semaphore(%arg19 : memref<!tpu.dma_semaphore, #tpu.memory_space<semaphore_mem>>)
      } else {
      }
      %add3A_278 = arith.constant 6 : i32
      %add3A_279 = arith.addi %add3A_139, %add3A_278 : i32
      %add3A_280 = arith.constant 5 : i32
      %add3A_281 = arith.addi %add3A_279, %add3A_280 : i32
      %lt3A_282 = arith.constant 84 : i32
      %lt3A_283 = arith.cmpi slt, %add3A_281, %lt3A_282 : i32
      %convert_element_type3A_284 = arith.extui %lt3A_283 : i1 to i32
      %cond3A_285 = arith.constant 0 : i32
      %cond3A_286 = arith.cmpi ne, %convert_element_type3A_284, %cond3A_285 : i32
      scf.if %cond3A_286 {
        %add3A_287 = arith.constant 5 : i32
        %add3A_288 = arith.addi %add3A_139, %add3A_287 : i32
        %dma_wait3A_289 = arith.constant 0 : i32
        %dma_wait3A_290 = tpu.memref_slice %arg7[%add3A_288, %dma_wait3A_289] : memref<84x128xi32, #tpu.memory_space<vmem>> -> memref<1x128xi32, #tpu.memory_space<vmem>>
        %dma_wait3A_291 = tpu.memref_squeeze %dma_wait3A_290 : memref<1x128xi32, #tpu.memory_space<vmem>> -> memref<128xi32, #tpu.memory_space<vmem>>
        %dma_wait3A_292 = arith.constant 0 : i32
        %dma_wait3A_293 = arith.constant 0 : i32
        %dma_wait3A_294 = tpu.memref_slice %arg14[%dma_wait3A_292, %dma_wait3A_293] : memref<10240x48xf32, #tpu.memory_space<vmem_shared>> -> memref<10240x48xf32, #tpu.memory_space<vmem_shared>>
        tpu.wait_indirect_dma semaphore(%arg26 : memref<!tpu.dma_semaphore, #tpu.memory_space<semaphore_mem>>) src(%arg13 : memref<128x48xf32, #tpu.memory_space<vmem>>) dst(%dma_wait3A_294 : memref<10240x48xf32, #tpu.memory_space<vmem_shared>>)
        %add3A_295 = arith.constant 6 : i32
        %add3A_296 = arith.addi %add3A_139, %add3A_295 : i32
        %add3A_297 = arith.constant 5 : i32
        %add3A_298 = arith.addi %add3A_296, %add3A_297 : i32
        %dma_start3A_299 = arith.constant 0 : i32
        %dma_start3A_300 = tpu.memref_slice %arg6[%add3A_298, %dma_start3A_299] : memref<84x128xi32, #tpu.memory_space<vmem>> -> memref<1x128xi32, #tpu.memory_space<vmem>>
        %dma_start3A_301 = tpu.memref_squeeze %dma_start3A_300 : memref<1x128xi32, #tpu.memory_space<vmem>> -> memref<128xi32, #tpu.memory_space<vmem>>
        %dma_start3A_302 = arith.constant 0 : i32
        %dma_start3A_303 = arith.constant 0 : i32
        %dma_start3A_304 = tpu.memref_slice %arg2[%dma_start3A_302, %dma_start3A_303] : memref<10240x48xf32, #tpu.memory_space<hbm>> -> memref<10240x48xf32, #tpu.memory_space<hbm>>
        tpu.enqueue_indirect_dma source(%dma_start3A_304 : memref<10240x48xf32, #tpu.memory_space<hbm>>) target(%arg13 : memref<128x48xf32, #tpu.memory_space<vmem>>) offsets(%dma_start3A_301 : memref<128xi32, #tpu.memory_space<vmem>>) semaphore(%arg20 : memref<!tpu.dma_semaphore, #tpu.memory_space<semaphore_mem>>)
      } else {
      }
    }
    %scan3A_87 = arith.constant 14 : i32
    %dma_wait3A_88 = arith.constant 0 : i32
    %dma_wait3A_89 = arith.constant 0 : i32
    %dma_wait3A_90 = tpu.memref_slice %arg7[%dma_wait3A_88, %dma_wait3A_89] : memref<84x128xi32, #tpu.memory_space<vmem>> -> memref<1x128xi32, #tpu.memory_space<vmem>>
    %dma_wait3A_91 = tpu.memref_squeeze %dma_wait3A_90 : memref<1x128xi32, #tpu.memory_space<vmem>> -> memref<128xi32, #tpu.memory_space<vmem>>
    %dma_wait3A_92 = arith.constant 0 : i32
    %dma_wait3A_93 = arith.constant 0 : i32
    %dma_wait3A_94 = tpu.memref_slice %arg14[%dma_wait3A_92, %dma_wait3A_93] : memref<10240x48xf32, #tpu.memory_space<vmem_shared>> -> memref<10240x48xf32, #tpu.memory_space<vmem_shared>>
    tpu.wait_indirect_dma semaphore(%arg21 : memref<!tpu.dma_semaphore, #tpu.memory_space<semaphore_mem>>) src(%arg8 : memref<128x48xf32, #tpu.memory_space<vmem>>) dst(%dma_wait3A_94 : memref<10240x48xf32, #tpu.memory_space<vmem_shared>>)
    %dma_wait3A_95 = arith.constant 0 : i32
    %dma_wait3A_96 = arith.constant 0 : i32
    %dma_wait3A_97 = tpu.memref_slice %arg7[%dma_wait3A_95, %dma_wait3A_96] : memref<84x128xi32, #tpu.memory_space<vmem>> -> memref<1x128xi32, #tpu.memory_space<vmem>>
    %dma_wait3A_98 = tpu.memref_squeeze %dma_wait3A_97 : memref<1x128xi32, #tpu.memory_space<vmem>> -> memref<128xi32, #tpu.memory_space<vmem>>
    %dma_wait3A_99 = arith.constant 0 : i32
    %dma_wait3A_100 = arith.constant 0 : i32
    %dma_wait3A_101 = tpu.memref_slice %arg14[%dma_wait3A_99, %dma_wait3A_100] : memref<10240x48xf32, #tpu.memory_space<vmem_shared>> -> memref<10240x48xf32, #tpu.memory_space<vmem_shared>>
    tpu.wait_indirect_dma semaphore(%arg22 : memref<!tpu.dma_semaphore, #tpu.memory_space<semaphore_mem>>) src(%arg9 : memref<128x48xf32, #tpu.memory_space<vmem>>) dst(%dma_wait3A_101 : memref<10240x48xf32, #tpu.memory_space<vmem_shared>>)
    %dma_wait3A_102 = arith.constant 0 : i32
    %dma_wait3A_103 = arith.constant 0 : i32
    %dma_wait3A_104 = tpu.memref_slice %arg7[%dma_wait3A_102, %dma_wait3A_103] : memref<84x128xi32, #tpu.memory_space<vmem>> -> memref<1x128xi32, #tpu.memory_space<vmem>>
    %dma_wait3A_105 = tpu.memref_squeeze %dma_wait3A_104 : memref<1x128xi32, #tpu.memory_space<vmem>> -> memref<128xi32, #tpu.memory_space<vmem>>
    %dma_wait3A_106 = arith.constant 0 : i32
    %dma_wait3A_107 = arith.constant 0 : i32
    %dma_wait3A_108 = tpu.memref_slice %arg14[%dma_wait3A_106, %dma_wait3A_107] : memref<10240x48xf32, #tpu.memory_space<vmem_shared>> -> memref<10240x48xf32, #tpu.memory_space<vmem_shared>>
    tpu.wait_indirect_dma semaphore(%arg23 : memref<!tpu.dma_semaphore, #tpu.memory_space<semaphore_mem>>) src(%arg10 : memref<128x48xf32, #tpu.memory_space<vmem>>) dst(%dma_wait3A_108 : memref<10240x48xf32, #tpu.memory_space<vmem_shared>>)
    %dma_wait3A_109 = arith.constant 0 : i32
    %dma_wait3A_110 = arith.constant 0 : i32
    %dma_wait3A_111 = tpu.memref_slice %arg7[%dma_wait3A_109, %dma_wait3A_110] : memref<84x128xi32, #tpu.memory_space<vmem>> -> memref<1x128xi32, #tpu.memory_space<vmem>>
    %dma_wait3A_112 = tpu.memref_squeeze %dma_wait3A_111 : memref<1x128xi32, #tpu.memory_space<vmem>> -> memref<128xi32, #tpu.memory_space<vmem>>
    %dma_wait3A_113 = arith.constant 0 : i32
    %dma_wait3A_114 = arith.constant 0 : i32
    %dma_wait3A_115 = tpu.memref_slice %arg14[%dma_wait3A_113, %dma_wait3A_114] : memref<10240x48xf32, #tpu.memory_space<vmem_shared>> -> memref<10240x48xf32, #tpu.memory_space<vmem_shared>>
    tpu.wait_indirect_dma semaphore(%arg24 : memref<!tpu.dma_semaphore, #tpu.memory_space<semaphore_mem>>) src(%arg11 : memref<128x48xf32, #tpu.memory_space<vmem>>) dst(%dma_wait3A_115 : memref<10240x48xf32, #tpu.memory_space<vmem_shared>>)
    %dma_wait3A_116 = arith.constant 0 : i32
    %dma_wait3A_117 = arith.constant 0 : i32
    %dma_wait3A_118 = tpu.memref_slice %arg7[%dma_wait3A_116, %dma_wait3A_117] : memref<84x128xi32, #tpu.memory_space<vmem>> -> memref<1x128xi32, #tpu.memory_space<vmem>>
    %dma_wait3A_119 = tpu.memref_squeeze %dma_wait3A_118 : memref<1x128xi32, #tpu.memory_space<vmem>> -> memref<128xi32, #tpu.memory_space<vmem>>
    %dma_wait3A_120 = arith.constant 0 : i32
    %dma_wait3A_121 = arith.constant 0 : i32
    %dma_wait3A_122 = tpu.memref_slice %arg14[%dma_wait3A_120, %dma_wait3A_121] : memref<10240x48xf32, #tpu.memory_space<vmem_shared>> -> memref<10240x48xf32, #tpu.memory_space<vmem_shared>>
    tpu.wait_indirect_dma semaphore(%arg25 : memref<!tpu.dma_semaphore, #tpu.memory_space<semaphore_mem>>) src(%arg12 : memref<128x48xf32, #tpu.memory_space<vmem>>) dst(%dma_wait3A_122 : memref<10240x48xf32, #tpu.memory_space<vmem_shared>>)
    %dma_wait3A_123 = arith.constant 0 : i32
    %dma_wait3A_124 = arith.constant 0 : i32
    %dma_wait3A_125 = tpu.memref_slice %arg7[%dma_wait3A_123, %dma_wait3A_124] : memref<84x128xi32, #tpu.memory_space<vmem>> -> memref<1x128xi32, #tpu.memory_space<vmem>>
    %dma_wait3A_126 = tpu.memref_squeeze %dma_wait3A_125 : memref<1x128xi32, #tpu.memory_space<vmem>> -> memref<128xi32, #tpu.memory_space<vmem>>
    %dma_wait3A_127 = arith.constant 0 : i32
    %dma_wait3A_128 = arith.constant 0 : i32
    %dma_wait3A_129 = tpu.memref_slice %arg14[%dma_wait3A_127, %dma_wait3A_128] : memref<10240x48xf32, #tpu.memory_space<vmem_shared>> -> memref<10240x48xf32, #tpu.memory_space<vmem_shared>>
    tpu.wait_indirect_dma semaphore(%arg26 : memref<!tpu.dma_semaphore, #tpu.memory_space<semaphore_mem>>) src(%arg13 : memref<128x48xf32, #tpu.memory_space<vmem>>) dst(%dma_wait3A_129 : memref<10240x48xf32, #tpu.memory_space<vmem_shared>>)
    %barrier3A_130 = arith.constant 0 : index
    tpu.barrier barrier_id(%barrier3A_130)
    %mul3A_131 = arith.constant 640 : i32
    %mul3A_132 = arith.muli %arg1, %mul3A_131 : i32
    %mul3A_133 = arith.constant 640 : i32
    %mul3A_134 = arith.muli %arg1, %mul3A_133 : i32
    "tpu.region"() ({
      %run_scoped3A = tpu.sem_alloc : memref<!tpu.dma_semaphore, #tpu.memory_space<semaphore_mem>>
      %dma_start3A_135 = arith.constant 0 : i32
      %dma_start3A_136 = tpu.memref_slice %arg5[%arg0, %mul3A_134, %dma_start3A_135] : memref<2x10240x48xf32, #tpu.memory_space<hbm>> -> memref<1x640x48xf32, #tpu.memory_space<hbm>>
      %dma_start3A_137 = tpu.memref_squeeze %dma_start3A_136 : memref<1x640x48xf32, #tpu.memory_space<hbm>> -> memref<640x48xf32, #tpu.memory_space<hbm>>
      %dma_start3A_138 = arith.constant 0 : i32
      %dma_start3A_139 = tpu.memref_slice %arg14[%mul3A_132, %dma_start3A_138] : memref<10240x48xf32, #tpu.memory_space<vmem_shared>> -> memref<640x48xf32, #tpu.memory_space<vmem_shared>>
      tpu.enqueue_dma source(%dma_start3A_139 : memref<640x48xf32, #tpu.memory_space<vmem_shared>>) target(%dma_start3A_137 : memref<640x48xf32, #tpu.memory_space<hbm>>) target_semaphore(%run_scoped3A : memref<!tpu.dma_semaphore, #tpu.memory_space<semaphore_mem>>)
      %dma_wait3A_140 = arith.constant 0 : i32
      %dma_wait3A_141 = tpu.memref_slice %arg5[%arg0, %mul3A_134, %dma_wait3A_140] : memref<2x10240x48xf32, #tpu.memory_space<hbm>> -> memref<1x640x48xf32, #tpu.memory_space<hbm>>
      %dma_wait3A_142 = tpu.memref_squeeze %dma_wait3A_141 : memref<1x640x48xf32, #tpu.memory_space<hbm>> -> memref<640x48xf32, #tpu.memory_space<hbm>>
      %dma_wait3A_143 = arith.constant 0 : i32
      %dma_wait3A_144 = tpu.memref_slice %arg14[%mul3A_132, %dma_wait3A_143] : memref<10240x48xf32, #tpu.memory_space<vmem_shared>> -> memref<640x48xf32, #tpu.memory_space<vmem_shared>>
      tpu.wait_dma2 semaphore(%run_scoped3A : memref<!tpu.dma_semaphore, #tpu.memory_space<semaphore_mem>>) src(%dma_wait3A_144 : memref<640x48xf32, #tpu.memory_space<vmem_shared>>) dst(%dma_wait3A_142 : memref<640x48xf32, #tpu.memory_space<hbm>>)
      tpu.yield
    }) : () -> ()
    return
  }
}

#map = affine_map<(d0, d1) -> (0, 0)>
#map1 = affine_map<(d0, d1) -> (0, 0, 0)>
module attributes {stable_mosaic.version = 14 : i64} {
  func.func @agg_kernel(%arg0: i32, %arg1: i32, %arg2: memref<10000x128xf32, #tpu.memory_space<hbm>>, %arg3: memref<32x159x64xi32, #tpu.memory_space<hbm>>, %arg4: memref<32x159x64xi32, #tpu.memory_space<hbm>>, %arg5: memref<2x10240x128xf32, #tpu.memory_space<hbm>>, %arg6: memref<159x64xi32, #tpu.memory_space<vmem>>, %arg7: memref<159x64xi32, #tpu.memory_space<vmem>>, %arg8: memref<64x128xf32, #tpu.memory_space<vmem>>, %arg9: memref<64x128xf32, #tpu.memory_space<vmem>>, %arg10: memref<64x128xf32, #tpu.memory_space<vmem>>, %arg11: memref<10240x128xf32, #tpu.memory_space<vmem_shared>>, %arg12: memref<!tpu.dma_semaphore, #tpu.memory_space<semaphore_mem>>, %arg13: memref<!tpu.dma_semaphore, #tpu.memory_space<semaphore_mem>>, %arg14: memref<!tpu.dma_semaphore, #tpu.memory_space<semaphore_mem>>, %arg15: memref<!tpu.dma_semaphore, #tpu.memory_space<semaphore_mem>>, %arg16: memref<!tpu.dma_semaphore, #tpu.memory_space<semaphore_mem>>, %arg17: memref<!tpu.dma_semaphore, #tpu.memory_space<semaphore_mem>>, %arg18: memref<!tpu.dma_semaphore, #tpu.memory_space<semaphore_mem>>, %arg19: memref<!tpu.dma_semaphore, #tpu.memory_space<semaphore_mem>>) attributes {dimension_semantics = [#tpu.dimension_semantics<core_parallel>, #tpu.dimension_semantics<subcore_parallel>], iteration_bounds = array<i64: 2, 16>, scalar_prefetch = 0 : i64, scratch_operands = 14 : i64, tpu.core_type = #tpu.core_type<sc_vector_subcore>, window_params = [{transform_indices = #map}, {transform_indices = #map1}, {transform_indices = #map1}, {transform_indices = #map1}]} {
    %mul3A = arith.constant 2 : i32
    %mul3A_0 = arith.muli %arg1, %mul3A : i32
    %add3A = arith.addi %mul3A_0, %arg0 : i32
    %dma_start3A = arith.constant 0 : i32
    %dma_start3A_1 = arith.constant 0 : i32
    %dma_start3A_2 = tpu.memref_slice %arg3[%add3A, %dma_start3A, %dma_start3A_1] : memref<32x159x64xi32, #tpu.memory_space<hbm>> -> memref<1x159x64xi32, #tpu.memory_space<hbm>>
    %dma_start3A_3 = tpu.memref_squeeze %dma_start3A_2 : memref<1x159x64xi32, #tpu.memory_space<hbm>> -> memref<159x64xi32, #tpu.memory_space<hbm>>
    %dma_start3A_4 = arith.constant 0 : i32
    %dma_start3A_5 = arith.constant 0 : i32
    %dma_start3A_6 = tpu.memref_slice %arg3[%add3A, %dma_start3A_4, %dma_start3A_5] : memref<32x159x64xi32, #tpu.memory_space<hbm>> -> memref<1x159x64xi32, #tpu.memory_space<hbm>>
    %dma_start3A_7 = tpu.memref_squeeze %dma_start3A_6 : memref<1x159x64xi32, #tpu.memory_space<hbm>> -> memref<159x64xi32, #tpu.memory_space<hbm>>
    tpu.enqueue_dma source(%dma_start3A_7 : memref<159x64xi32, #tpu.memory_space<hbm>>) target(%arg6 : memref<159x64xi32, #tpu.memory_space<vmem>>) target_semaphore(%arg18 : memref<!tpu.dma_semaphore, #tpu.memory_space<semaphore_mem>>)
    %dma_start3A_8 = arith.constant 0 : i32
    %dma_start3A_9 = arith.constant 0 : i32
    %dma_start3A_10 = tpu.memref_slice %arg4[%add3A, %dma_start3A_8, %dma_start3A_9] : memref<32x159x64xi32, #tpu.memory_space<hbm>> -> memref<1x159x64xi32, #tpu.memory_space<hbm>>
    %dma_start3A_11 = tpu.memref_squeeze %dma_start3A_10 : memref<1x159x64xi32, #tpu.memory_space<hbm>> -> memref<159x64xi32, #tpu.memory_space<hbm>>
    %dma_start3A_12 = arith.constant 0 : i32
    %dma_start3A_13 = arith.constant 0 : i32
    %dma_start3A_14 = tpu.memref_slice %arg4[%add3A, %dma_start3A_12, %dma_start3A_13] : memref<32x159x64xi32, #tpu.memory_space<hbm>> -> memref<1x159x64xi32, #tpu.memory_space<hbm>>
    %dma_start3A_15 = tpu.memref_squeeze %dma_start3A_14 : memref<1x159x64xi32, #tpu.memory_space<hbm>> -> memref<159x64xi32, #tpu.memory_space<hbm>>
    tpu.enqueue_dma source(%dma_start3A_15 : memref<159x64xi32, #tpu.memory_space<hbm>>) target(%arg7 : memref<159x64xi32, #tpu.memory_space<vmem>>) target_semaphore(%arg19 : memref<!tpu.dma_semaphore, #tpu.memory_space<semaphore_mem>>)
    %broadcast_in_dim3A = arith.constant 0.000000e+00 : f32
    %broadcast_in_dim3A_16 = vector.broadcast %broadcast_in_dim3A : f32 to vector<16xf32>
    %scan3A = arith.constant 0 : i32
    %scan3A_17 = arith.constant 64 : i32
    %scan3A_18 = arith.addi %scan3A, %scan3A_17 : i32
    %scan3A_19 = arith.constant 1 : i32
    scf.for %scan3A_93 = %scan3A to %scan3A_18 step %scan3A_19  : i32 {
      %mul3A_94 = arith.constant 1 : i32
      %mul3A_95 = arith.muli %scan3A_93, %mul3A_94 : i32
      %add3A_96 = arith.constant 0 : i32
      %add3A_97 = arith.addi %add3A_96, %mul3A_95 : i32
      %scan3A_98 = arith.constant 0 : i32
      %scan3A_99 = arith.constant 8 : i32
      %scan3A_100 = arith.addi %scan3A_98, %scan3A_99 : i32
      %scan3A_101 = arith.constant 1 : i32
      scf.for %scan3A_103 = %scan3A_98 to %scan3A_100 step %scan3A_101  : i32 {
        %mul3A_104 = arith.constant 16 : i32
        %mul3A_105 = arith.muli %scan3A_103, %mul3A_104 : i32
        %add3A_106 = arith.constant 0 : i32
        %add3A_107 = arith.addi %add3A_106, %mul3A_105 : i32
        %swap3A = arith.index_cast %add3A_97 : i32 to index
        %swap3A_108 = arith.index_cast %add3A_107 : i32 to index
        %swap3A_109 = tpu.vector_load %arg8[%swap3A, %swap3A_108] {strides = array<i32>} : memref<64x128xf32, #tpu.memory_space<vmem>>, vector<1x16xf32>,
        %swap3A_110 = vector.shape_cast %swap3A_109 : vector<1x16xf32> to vector<16xf32>
        %swap3A_111 = vector.shape_cast %broadcast_in_dim3A_16 : vector<16xf32> to vector<1x16xf32>
        tpu.vector_store %arg8[%swap3A, %swap3A_108], %swap3A_111 {strides = array<i32>} : memref<64x128xf32, #tpu.memory_space<vmem>>, vector<1x16xf32>,
      }
      %scan3A_102 = arith.constant 8 : i32
    }
    %scan3A_20 = arith.constant 64 : i32
    %scan3A_21 = arith.constant 0 : i32
    %scan3A_22 = arith.constant 10 : i32
    %scan3A_23 = arith.addi %scan3A_21, %scan3A_22 : i32
    %scan3A_24 = arith.constant 1 : i32
    scf.for %scan3A_93 = %scan3A_21 to %scan3A_23 step %scan3A_24  : i32 {
      %mul3A_94 = arith.constant 64 : i32
      %mul3A_95 = arith.muli %scan3A_93, %mul3A_94 : i32
      %add3A_96 = arith.constant 0 : i32
      %add3A_97 = arith.addi %add3A_96, %mul3A_95 : i32
      %mul3A_98 = arith.constant 640 : i32
      %mul3A_99 = arith.muli %arg1, %mul3A_98 : i32
      %add3A_100 = arith.addi %mul3A_99, %add3A_97 : i32
      "tpu.region"() ({
        %run_scoped3A = tpu.sem_alloc : memref<!tpu.dma_semaphore, #tpu.memory_space<semaphore_mem>>
        %dma_start3A_101 = arith.constant 0 : i32
        %dma_start3A_102 = tpu.memref_slice %arg11[%add3A_100, %dma_start3A_101] : memref<10240x128xf32, #tpu.memory_space<vmem_shared>> -> memref<64x128xf32, #tpu.memory_space<vmem_shared>>
        %dma_start3A_103 = arith.constant 0 : i32
        %dma_start3A_104 = tpu.memref_slice %arg11[%add3A_100, %dma_start3A_103] : memref<10240x128xf32, #tpu.memory_space<vmem_shared>> -> memref<64x128xf32, #tpu.memory_space<vmem_shared>>
        tpu.enqueue_dma source(%arg8 : memref<64x128xf32, #tpu.memory_space<vmem>>) target(%dma_start3A_104 : memref<64x128xf32, #tpu.memory_space<vmem_shared>>) target_semaphore(%run_scoped3A : memref<!tpu.dma_semaphore, #tpu.memory_space<semaphore_mem>>)
        %dma_wait3A_105 = arith.constant 0 : i32
        %dma_wait3A_106 = tpu.memref_slice %arg11[%add3A_100, %dma_wait3A_105] : memref<10240x128xf32, #tpu.memory_space<vmem_shared>> -> memref<64x128xf32, #tpu.memory_space<vmem_shared>>
        %dma_wait3A_107 = arith.constant 0 : i32
        %dma_wait3A_108 = tpu.memref_slice %arg11[%add3A_100, %dma_wait3A_107] : memref<10240x128xf32, #tpu.memory_space<vmem_shared>> -> memref<64x128xf32, #tpu.memory_space<vmem_shared>>
        tpu.wait_dma2 semaphore(%run_scoped3A : memref<!tpu.dma_semaphore, #tpu.memory_space<semaphore_mem>>) src(%arg8 : memref<64x128xf32, #tpu.memory_space<vmem>>) dst(%dma_wait3A_108 : memref<64x128xf32, #tpu.memory_space<vmem_shared>>)
        tpu.yield
      }) : () -> ()
    }
    %scan3A_25 = arith.constant 10 : i32
    %barrier3A = arith.constant 0 : index
    tpu.barrier barrier_id(%barrier3A)
    %dma_wait3A = arith.constant 0 : i32
    %dma_wait3A_26 = arith.constant 0 : i32
    %dma_wait3A_27 = tpu.memref_slice %arg3[%add3A, %dma_wait3A, %dma_wait3A_26] : memref<32x159x64xi32, #tpu.memory_space<hbm>> -> memref<1x159x64xi32, #tpu.memory_space<hbm>>
    %dma_wait3A_28 = tpu.memref_squeeze %dma_wait3A_27 : memref<1x159x64xi32, #tpu.memory_space<hbm>> -> memref<159x64xi32, #tpu.memory_space<hbm>>
    %dma_wait3A_29 = arith.constant 0 : i32
    %dma_wait3A_30 = arith.constant 0 : i32
    %dma_wait3A_31 = tpu.memref_slice %arg3[%add3A, %dma_wait3A_29, %dma_wait3A_30] : memref<32x159x64xi32, #tpu.memory_space<hbm>> -> memref<1x159x64xi32, #tpu.memory_space<hbm>>
    %dma_wait3A_32 = tpu.memref_squeeze %dma_wait3A_31 : memref<1x159x64xi32, #tpu.memory_space<hbm>> -> memref<159x64xi32, #tpu.memory_space<hbm>>
    tpu.wait_dma2 semaphore(%arg18 : memref<!tpu.dma_semaphore, #tpu.memory_space<semaphore_mem>>) src(%dma_wait3A_32 : memref<159x64xi32, #tpu.memory_space<hbm>>) dst(%arg6 : memref<159x64xi32, #tpu.memory_space<vmem>>)
    %dma_wait3A_33 = arith.constant 0 : i32
    %dma_wait3A_34 = arith.constant 0 : i32
    %dma_wait3A_35 = tpu.memref_slice %arg4[%add3A, %dma_wait3A_33, %dma_wait3A_34] : memref<32x159x64xi32, #tpu.memory_space<hbm>> -> memref<1x159x64xi32, #tpu.memory_space<hbm>>
    %dma_wait3A_36 = tpu.memref_squeeze %dma_wait3A_35 : memref<1x159x64xi32, #tpu.memory_space<hbm>> -> memref<159x64xi32, #tpu.memory_space<hbm>>
    %dma_wait3A_37 = arith.constant 0 : i32
    %dma_wait3A_38 = arith.constant 0 : i32
    %dma_wait3A_39 = tpu.memref_slice %arg4[%add3A, %dma_wait3A_37, %dma_wait3A_38] : memref<32x159x64xi32, #tpu.memory_space<hbm>> -> memref<1x159x64xi32, #tpu.memory_space<hbm>>
    %dma_wait3A_40 = tpu.memref_squeeze %dma_wait3A_39 : memref<1x159x64xi32, #tpu.memory_space<hbm>> -> memref<159x64xi32, #tpu.memory_space<hbm>>
    tpu.wait_dma2 semaphore(%arg19 : memref<!tpu.dma_semaphore, #tpu.memory_space<semaphore_mem>>) src(%dma_wait3A_40 : memref<159x64xi32, #tpu.memory_space<hbm>>) dst(%arg7 : memref<159x64xi32, #tpu.memory_space<vmem>>)
    %dma_start3A_41 = arith.constant 0 : i32
    %dma_start3A_42 = arith.constant 0 : i32
    %dma_start3A_43 = tpu.memref_slice %arg6[%dma_start3A_41, %dma_start3A_42] : memref<159x64xi32, #tpu.memory_space<vmem>> -> memref<1x64xi32, #tpu.memory_space<vmem>>
    %dma_start3A_44 = tpu.memref_squeeze %dma_start3A_43 : memref<1x64xi32, #tpu.memory_space<vmem>> -> memref<64xi32, #tpu.memory_space<vmem>>
    %dma_start3A_45 = arith.constant 0 : i32
    %dma_start3A_46 = arith.constant 0 : i32
    %dma_start3A_47 = tpu.memref_slice %arg2[%dma_start3A_45, %dma_start3A_46] : memref<10000x128xf32, #tpu.memory_space<hbm>> -> memref<10000x128xf32, #tpu.memory_space<hbm>>
    tpu.enqueue_indirect_dma source(%dma_start3A_47 : memref<10000x128xf32, #tpu.memory_space<hbm>>) target(%arg8 : memref<64x128xf32, #tpu.memory_space<vmem>>) offsets(%dma_start3A_44 : memref<64xi32, #tpu.memory_space<vmem>>) semaphore(%arg12 : memref<!tpu.dma_semaphore, #tpu.memory_space<semaphore_mem>>)
    %dma_start3A_48 = arith.constant 1 : i32
    %dma_start3A_49 = arith.constant 0 : i32
    %dma_start3A_50 = tpu.memref_slice %arg6[%dma_start3A_48, %dma_start3A_49] : memref<159x64xi32, #tpu.memory_space<vmem>> -> memref<1x64xi32, #tpu.memory_space<vmem>>
    %dma_start3A_51 = tpu.memref_squeeze %dma_start3A_50 : memref<1x64xi32, #tpu.memory_space<vmem>> -> memref<64xi32, #tpu.memory_space<vmem>>
    %dma_start3A_52 = arith.constant 0 : i32
    %dma_start3A_53 = arith.constant 0 : i32
    %dma_start3A_54 = tpu.memref_slice %arg2[%dma_start3A_52, %dma_start3A_53] : memref<10000x128xf32, #tpu.memory_space<hbm>> -> memref<10000x128xf32, #tpu.memory_space<hbm>>
    tpu.enqueue_indirect_dma source(%dma_start3A_54 : memref<10000x128xf32, #tpu.memory_space<hbm>>) target(%arg9 : memref<64x128xf32, #tpu.memory_space<vmem>>) offsets(%dma_start3A_51 : memref<64xi32, #tpu.memory_space<vmem>>) semaphore(%arg13 : memref<!tpu.dma_semaphore, #tpu.memory_space<semaphore_mem>>)
    %dma_start3A_55 = arith.constant 2 : i32
    %dma_start3A_56 = arith.constant 0 : i32
    %dma_start3A_57 = tpu.memref_slice %arg6[%dma_start3A_55, %dma_start3A_56] : memref<159x64xi32, #tpu.memory_space<vmem>> -> memref<1x64xi32, #tpu.memory_space<vmem>>
    %dma_start3A_58 = tpu.memref_squeeze %dma_start3A_57 : memref<1x64xi32, #tpu.memory_space<vmem>> -> memref<64xi32, #tpu.memory_space<vmem>>
    %dma_start3A_59 = arith.constant 0 : i32
    %dma_start3A_60 = arith.constant 0 : i32
    %dma_start3A_61 = tpu.memref_slice %arg2[%dma_start3A_59, %dma_start3A_60] : memref<10000x128xf32, #tpu.memory_space<hbm>> -> memref<10000x128xf32, #tpu.memory_space<hbm>>
    tpu.enqueue_indirect_dma source(%dma_start3A_61 : memref<10000x128xf32, #tpu.memory_space<hbm>>) target(%arg10 : memref<64x128xf32, #tpu.memory_space<vmem>>) offsets(%dma_start3A_58 : memref<64xi32, #tpu.memory_space<vmem>>) semaphore(%arg14 : memref<!tpu.dma_semaphore, #tpu.memory_space<semaphore_mem>>)
    %scan3A_62 = arith.constant 0 : i32
    %scan3A_63 = arith.constant 53 : i32
    %scan3A_64 = arith.addi %scan3A_62, %scan3A_63 : i32
    %scan3A_65 = arith.constant 1 : i32
    scf.for %scan3A_93 = %scan3A_62 to %scan3A_64 step %scan3A_65  : i32 {
      %mul3A_94 = arith.constant 3 : i32
      %mul3A_95 = arith.muli %scan3A_93, %mul3A_94 : i32
      %add3A_96 = arith.constant 0 : i32
      %add3A_97 = arith.addi %add3A_96, %mul3A_95 : i32
      %add3A_98 = arith.constant 0 : i32
      %add3A_99 = arith.addi %add3A_97, %add3A_98 : i32
      %dma_wait3A_100 = arith.constant 0 : i32
      %dma_wait3A_101 = tpu.memref_slice %arg6[%add3A_99, %dma_wait3A_100] : memref<159x64xi32, #tpu.memory_space<vmem>> -> memref<1x64xi32, #tpu.memory_space<vmem>>
      %dma_wait3A_102 = tpu.memref_squeeze %dma_wait3A_101 : memref<1x64xi32, #tpu.memory_space<vmem>> -> memref<64xi32, #tpu.memory_space<vmem>>
      %dma_wait3A_103 = arith.constant 0 : i32
      %dma_wait3A_104 = arith.constant 0 : i32
      %dma_wait3A_105 = tpu.memref_slice %arg2[%dma_wait3A_103, %dma_wait3A_104] : memref<10000x128xf32, #tpu.memory_space<hbm>> -> memref<10000x128xf32, #tpu.memory_space<hbm>>
      tpu.wait_indirect_dma semaphore(%arg12 : memref<!tpu.dma_semaphore, #tpu.memory_space<semaphore_mem>>) src(%dma_wait3A_105 : memref<10000x128xf32, #tpu.memory_space<hbm>>) dst(%arg8 : memref<64x128xf32, #tpu.memory_space<vmem>>)
      %add3A_106 = arith.constant 0 : i32
      %add3A_107 = arith.addi %add3A_97, %add3A_106 : i32
      %dma_start3A_108 = arith.constant 0 : i32
      %dma_start3A_109 = tpu.memref_slice %arg7[%add3A_107, %dma_start3A_108] : memref<159x64xi32, #tpu.memory_space<vmem>> -> memref<1x64xi32, #tpu.memory_space<vmem>>
      %dma_start3A_110 = tpu.memref_squeeze %dma_start3A_109 : memref<1x64xi32, #tpu.memory_space<vmem>> -> memref<64xi32, #tpu.memory_space<vmem>>
      %dma_start3A_111 = arith.constant 0 : i32
      %dma_start3A_112 = arith.constant 0 : i32
      %dma_start3A_113 = tpu.memref_slice %arg11[%dma_start3A_111, %dma_start3A_112] : memref<10240x128xf32, #tpu.memory_space<vmem_shared>> -> memref<10240x128xf32, #tpu.memory_space<vmem_shared>>
      tpu.enqueue_indirect_dma source(%arg8 : memref<64x128xf32, #tpu.memory_space<vmem>>) target(%dma_start3A_113 : memref<10240x128xf32, #tpu.memory_space<vmem_shared>>) offsets(%dma_start3A_110 : memref<64xi32, #tpu.memory_space<vmem>>) semaphore(%arg15 : memref<!tpu.dma_semaphore, #tpu.memory_space<semaphore_mem>>) {add = true}
      %add3A_114 = arith.constant 1 : i32
      %add3A_115 = arith.addi %add3A_97, %add3A_114 : i32
      %dma_wait3A_116 = arith.constant 0 : i32
      %dma_wait3A_117 = tpu.memref_slice %arg6[%add3A_115, %dma_wait3A_116] : memref<159x64xi32, #tpu.memory_space<vmem>> -> memref<1x64xi32, #tpu.memory_space<vmem>>
      %dma_wait3A_118 = tpu.memref_squeeze %dma_wait3A_117 : memref<1x64xi32, #tpu.memory_space<vmem>> -> memref<64xi32, #tpu.memory_space<vmem>>
      %dma_wait3A_119 = arith.constant 0 : i32
      %dma_wait3A_120 = arith.constant 0 : i32
      %dma_wait3A_121 = tpu.memref_slice %arg2[%dma_wait3A_119, %dma_wait3A_120] : memref<10000x128xf32, #tpu.memory_space<hbm>> -> memref<10000x128xf32, #tpu.memory_space<hbm>>
      tpu.wait_indirect_dma semaphore(%arg13 : memref<!tpu.dma_semaphore, #tpu.memory_space<semaphore_mem>>) src(%dma_wait3A_121 : memref<10000x128xf32, #tpu.memory_space<hbm>>) dst(%arg9 : memref<64x128xf32, #tpu.memory_space<vmem>>)
      %add3A_122 = arith.constant 1 : i32
      %add3A_123 = arith.addi %add3A_97, %add3A_122 : i32
      %dma_start3A_124 = arith.constant 0 : i32
      %dma_start3A_125 = tpu.memref_slice %arg7[%add3A_123, %dma_start3A_124] : memref<159x64xi32, #tpu.memory_space<vmem>> -> memref<1x64xi32, #tpu.memory_space<vmem>>
      %dma_start3A_126 = tpu.memref_squeeze %dma_start3A_125 : memref<1x64xi32, #tpu.memory_space<vmem>> -> memref<64xi32, #tpu.memory_space<vmem>>
      %dma_start3A_127 = arith.constant 0 : i32
      %dma_start3A_128 = arith.constant 0 : i32
      %dma_start3A_129 = tpu.memref_slice %arg11[%dma_start3A_127, %dma_start3A_128] : memref<10240x128xf32, #tpu.memory_space<vmem_shared>> -> memref<10240x128xf32, #tpu.memory_space<vmem_shared>>
      tpu.enqueue_indirect_dma source(%arg9 : memref<64x128xf32, #tpu.memory_space<vmem>>) target(%dma_start3A_129 : memref<10240x128xf32, #tpu.memory_space<vmem_shared>>) offsets(%dma_start3A_126 : memref<64xi32, #tpu.memory_space<vmem>>) semaphore(%arg16 : memref<!tpu.dma_semaphore, #tpu.memory_space<semaphore_mem>>) {add = true}
      %add3A_130 = arith.constant 2 : i32
      %add3A_131 = arith.addi %add3A_97, %add3A_130 : i32
      %dma_wait3A_132 = arith.constant 0 : i32
      %dma_wait3A_133 = tpu.memref_slice %arg6[%add3A_131, %dma_wait3A_132] : memref<159x64xi32, #tpu.memory_space<vmem>> -> memref<1x64xi32, #tpu.memory_space<vmem>>
      %dma_wait3A_134 = tpu.memref_squeeze %dma_wait3A_133 : memref<1x64xi32, #tpu.memory_space<vmem>> -> memref<64xi32, #tpu.memory_space<vmem>>
      %dma_wait3A_135 = arith.constant 0 : i32
      %dma_wait3A_136 = arith.constant 0 : i32
      %dma_wait3A_137 = tpu.memref_slice %arg2[%dma_wait3A_135, %dma_wait3A_136] : memref<10000x128xf32, #tpu.memory_space<hbm>> -> memref<10000x128xf32, #tpu.memory_space<hbm>>
      tpu.wait_indirect_dma semaphore(%arg14 : memref<!tpu.dma_semaphore, #tpu.memory_space<semaphore_mem>>) src(%dma_wait3A_137 : memref<10000x128xf32, #tpu.memory_space<hbm>>) dst(%arg10 : memref<64x128xf32, #tpu.memory_space<vmem>>)
      %add3A_138 = arith.constant 2 : i32
      %add3A_139 = arith.addi %add3A_97, %add3A_138 : i32
      %dma_start3A_140 = arith.constant 0 : i32
      %dma_start3A_141 = tpu.memref_slice %arg7[%add3A_139, %dma_start3A_140] : memref<159x64xi32, #tpu.memory_space<vmem>> -> memref<1x64xi32, #tpu.memory_space<vmem>>
      %dma_start3A_142 = tpu.memref_squeeze %dma_start3A_141 : memref<1x64xi32, #tpu.memory_space<vmem>> -> memref<64xi32, #tpu.memory_space<vmem>>
      %dma_start3A_143 = arith.constant 0 : i32
      %dma_start3A_144 = arith.constant 0 : i32
      %dma_start3A_145 = tpu.memref_slice %arg11[%dma_start3A_143, %dma_start3A_144] : memref<10240x128xf32, #tpu.memory_space<vmem_shared>> -> memref<10240x128xf32, #tpu.memory_space<vmem_shared>>
      tpu.enqueue_indirect_dma source(%arg10 : memref<64x128xf32, #tpu.memory_space<vmem>>) target(%dma_start3A_145 : memref<10240x128xf32, #tpu.memory_space<vmem_shared>>) offsets(%dma_start3A_142 : memref<64xi32, #tpu.memory_space<vmem>>) semaphore(%arg17 : memref<!tpu.dma_semaphore, #tpu.memory_space<semaphore_mem>>) {add = true}
      %add3A_146 = arith.constant 3 : i32
      %add3A_147 = arith.addi %add3A_97, %add3A_146 : i32
      %add3A_148 = arith.constant 0 : i32
      %add3A_149 = arith.addi %add3A_147, %add3A_148 : i32
      %lt3A = arith.constant 159 : i32
      %lt3A_150 = arith.cmpi slt, %add3A_149, %lt3A : i32
      %convert_element_type3A = arith.extui %lt3A_150 : i1 to i32
      %cond3A = arith.constant 0 : i32
      %cond3A_151 = arith.cmpi ne, %convert_element_type3A, %cond3A : i32
      scf.if %cond3A_151 {
        %add3A_170 = arith.constant 0 : i32
        %add3A_171 = arith.addi %add3A_97, %add3A_170 : i32
        %dma_wait3A_172 = arith.constant 0 : i32
        %dma_wait3A_173 = tpu.memref_slice %arg7[%add3A_171, %dma_wait3A_172] : memref<159x64xi32, #tpu.memory_space<vmem>> -> memref<1x64xi32, #tpu.memory_space<vmem>>
        %dma_wait3A_174 = tpu.memref_squeeze %dma_wait3A_173 : memref<1x64xi32, #tpu.memory_space<vmem>> -> memref<64xi32, #tpu.memory_space<vmem>>
        %dma_wait3A_175 = arith.constant 0 : i32
        %dma_wait3A_176 = arith.constant 0 : i32
        %dma_wait3A_177 = tpu.memref_slice %arg11[%dma_wait3A_175, %dma_wait3A_176] : memref<10240x128xf32, #tpu.memory_space<vmem_shared>> -> memref<10240x128xf32, #tpu.memory_space<vmem_shared>>
        tpu.wait_indirect_dma semaphore(%arg15 : memref<!tpu.dma_semaphore, #tpu.memory_space<semaphore_mem>>) src(%arg8 : memref<64x128xf32, #tpu.memory_space<vmem>>) dst(%dma_wait3A_177 : memref<10240x128xf32, #tpu.memory_space<vmem_shared>>)
        %add3A_178 = arith.constant 3 : i32
        %add3A_179 = arith.addi %add3A_97, %add3A_178 : i32
        %add3A_180 = arith.constant 0 : i32
        %add3A_181 = arith.addi %add3A_179, %add3A_180 : i32
        %dma_start3A_182 = arith.constant 0 : i32
        %dma_start3A_183 = tpu.memref_slice %arg6[%add3A_181, %dma_start3A_182] : memref<159x64xi32, #tpu.memory_space<vmem>> -> memref<1x64xi32, #tpu.memory_space<vmem>>
        %dma_start3A_184 = tpu.memref_squeeze %dma_start3A_183 : memref<1x64xi32, #tpu.memory_space<vmem>> -> memref<64xi32, #tpu.memory_space<vmem>>
        %dma_start3A_185 = arith.constant 0 : i32
        %dma_start3A_186 = arith.constant 0 : i32
        %dma_start3A_187 = tpu.memref_slice %arg2[%dma_start3A_185, %dma_start3A_186] : memref<10000x128xf32, #tpu.memory_space<hbm>> -> memref<10000x128xf32, #tpu.memory_space<hbm>>
        tpu.enqueue_indirect_dma source(%dma_start3A_187 : memref<10000x128xf32, #tpu.memory_space<hbm>>) target(%arg8 : memref<64x128xf32, #tpu.memory_space<vmem>>) offsets(%dma_start3A_184 : memref<64xi32, #tpu.memory_space<vmem>>) semaphore(%arg12 : memref<!tpu.dma_semaphore, #tpu.memory_space<semaphore_mem>>)
      } else {
      }
      %add3A_152 = arith.constant 3 : i32
      %add3A_153 = arith.addi %add3A_97, %add3A_152 : i32
      %add3A_154 = arith.constant 1 : i32
      %add3A_155 = arith.addi %add3A_153, %add3A_154 : i32
      %lt3A_156 = arith.constant 159 : i32
      %lt3A_157 = arith.cmpi slt, %add3A_155, %lt3A_156 : i32
      %convert_element_type3A_158 = arith.extui %lt3A_157 : i1 to i32
      %cond3A_159 = arith.constant 0 : i32
      %cond3A_160 = arith.cmpi ne, %convert_element_type3A_158, %cond3A_159 : i32
      scf.if %cond3A_160 {
        %add3A_170 = arith.constant 1 : i32
        %add3A_171 = arith.addi %add3A_97, %add3A_170 : i32
        %dma_wait3A_172 = arith.constant 0 : i32
        %dma_wait3A_173 = tpu.memref_slice %arg7[%add3A_171, %dma_wait3A_172] : memref<159x64xi32, #tpu.memory_space<vmem>> -> memref<1x64xi32, #tpu.memory_space<vmem>>
        %dma_wait3A_174 = tpu.memref_squeeze %dma_wait3A_173 : memref<1x64xi32, #tpu.memory_space<vmem>> -> memref<64xi32, #tpu.memory_space<vmem>>
        %dma_wait3A_175 = arith.constant 0 : i32
        %dma_wait3A_176 = arith.constant 0 : i32
        %dma_wait3A_177 = tpu.memref_slice %arg11[%dma_wait3A_175, %dma_wait3A_176] : memref<10240x128xf32, #tpu.memory_space<vmem_shared>> -> memref<10240x128xf32, #tpu.memory_space<vmem_shared>>
        tpu.wait_indirect_dma semaphore(%arg16 : memref<!tpu.dma_semaphore, #tpu.memory_space<semaphore_mem>>) src(%arg9 : memref<64x128xf32, #tpu.memory_space<vmem>>) dst(%dma_wait3A_177 : memref<10240x128xf32, #tpu.memory_space<vmem_shared>>)
        %add3A_178 = arith.constant 3 : i32
        %add3A_179 = arith.addi %add3A_97, %add3A_178 : i32
        %add3A_180 = arith.constant 1 : i32
        %add3A_181 = arith.addi %add3A_179, %add3A_180 : i32
        %dma_start3A_182 = arith.constant 0 : i32
        %dma_start3A_183 = tpu.memref_slice %arg6[%add3A_181, %dma_start3A_182] : memref<159x64xi32, #tpu.memory_space<vmem>> -> memref<1x64xi32, #tpu.memory_space<vmem>>
        %dma_start3A_184 = tpu.memref_squeeze %dma_start3A_183 : memref<1x64xi32, #tpu.memory_space<vmem>> -> memref<64xi32, #tpu.memory_space<vmem>>
        %dma_start3A_185 = arith.constant 0 : i32
        %dma_start3A_186 = arith.constant 0 : i32
        %dma_start3A_187 = tpu.memref_slice %arg2[%dma_start3A_185, %dma_start3A_186] : memref<10000x128xf32, #tpu.memory_space<hbm>> -> memref<10000x128xf32, #tpu.memory_space<hbm>>
        tpu.enqueue_indirect_dma source(%dma_start3A_187 : memref<10000x128xf32, #tpu.memory_space<hbm>>) target(%arg9 : memref<64x128xf32, #tpu.memory_space<vmem>>) offsets(%dma_start3A_184 : memref<64xi32, #tpu.memory_space<vmem>>) semaphore(%arg13 : memref<!tpu.dma_semaphore, #tpu.memory_space<semaphore_mem>>)
      } else {
      }
      %add3A_161 = arith.constant 3 : i32
      %add3A_162 = arith.addi %add3A_97, %add3A_161 : i32
      %add3A_163 = arith.constant 2 : i32
      %add3A_164 = arith.addi %add3A_162, %add3A_163 : i32
      %lt3A_165 = arith.constant 159 : i32
      %lt3A_166 = arith.cmpi slt, %add3A_164, %lt3A_165 : i32
      %convert_element_type3A_167 = arith.extui %lt3A_166 : i1 to i32
      %cond3A_168 = arith.constant 0 : i32
      %cond3A_169 = arith.cmpi ne, %convert_element_type3A_167, %cond3A_168 : i32
      scf.if %cond3A_169 {
        %add3A_170 = arith.constant 2 : i32
        %add3A_171 = arith.addi %add3A_97, %add3A_170 : i32
        %dma_wait3A_172 = arith.constant 0 : i32
        %dma_wait3A_173 = tpu.memref_slice %arg7[%add3A_171, %dma_wait3A_172] : memref<159x64xi32, #tpu.memory_space<vmem>> -> memref<1x64xi32, #tpu.memory_space<vmem>>
        %dma_wait3A_174 = tpu.memref_squeeze %dma_wait3A_173 : memref<1x64xi32, #tpu.memory_space<vmem>> -> memref<64xi32, #tpu.memory_space<vmem>>
        %dma_wait3A_175 = arith.constant 0 : i32
        %dma_wait3A_176 = arith.constant 0 : i32
        %dma_wait3A_177 = tpu.memref_slice %arg11[%dma_wait3A_175, %dma_wait3A_176] : memref<10240x128xf32, #tpu.memory_space<vmem_shared>> -> memref<10240x128xf32, #tpu.memory_space<vmem_shared>>
        tpu.wait_indirect_dma semaphore(%arg17 : memref<!tpu.dma_semaphore, #tpu.memory_space<semaphore_mem>>) src(%arg10 : memref<64x128xf32, #tpu.memory_space<vmem>>) dst(%dma_wait3A_177 : memref<10240x128xf32, #tpu.memory_space<vmem_shared>>)
        %add3A_178 = arith.constant 3 : i32
        %add3A_179 = arith.addi %add3A_97, %add3A_178 : i32
        %add3A_180 = arith.constant 2 : i32
        %add3A_181 = arith.addi %add3A_179, %add3A_180 : i32
        %dma_start3A_182 = arith.constant 0 : i32
        %dma_start3A_183 = tpu.memref_slice %arg6[%add3A_181, %dma_start3A_182] : memref<159x64xi32, #tpu.memory_space<vmem>> -> memref<1x64xi32, #tpu.memory_space<vmem>>
        %dma_start3A_184 = tpu.memref_squeeze %dma_start3A_183 : memref<1x64xi32, #tpu.memory_space<vmem>> -> memref<64xi32, #tpu.memory_space<vmem>>
        %dma_start3A_185 = arith.constant 0 : i32
        %dma_start3A_186 = arith.constant 0 : i32
        %dma_start3A_187 = tpu.memref_slice %arg2[%dma_start3A_185, %dma_start3A_186] : memref<10000x128xf32, #tpu.memory_space<hbm>> -> memref<10000x128xf32, #tpu.memory_space<hbm>>
        tpu.enqueue_indirect_dma source(%dma_start3A_187 : memref<10000x128xf32, #tpu.memory_space<hbm>>) target(%arg10 : memref<64x128xf32, #tpu.memory_space<vmem>>) offsets(%dma_start3A_184 : memref<64xi32, #tpu.memory_space<vmem>>) semaphore(%arg14 : memref<!tpu.dma_semaphore, #tpu.memory_space<semaphore_mem>>)
      } else {
      }
    }
    %scan3A_66 = arith.constant 53 : i32
    %dma_wait3A_67 = arith.constant 0 : i32
    %dma_wait3A_68 = arith.constant 0 : i32
    %dma_wait3A_69 = tpu.memref_slice %arg7[%dma_wait3A_67, %dma_wait3A_68] : memref<159x64xi32, #tpu.memory_space<vmem>> -> memref<1x64xi32, #tpu.memory_space<vmem>>
    %dma_wait3A_70 = tpu.memref_squeeze %dma_wait3A_69 : memref<1x64xi32, #tpu.memory_space<vmem>> -> memref<64xi32, #tpu.memory_space<vmem>>
    %dma_wait3A_71 = arith.constant 0 : i32
    %dma_wait3A_72 = arith.constant 0 : i32
    %dma_wait3A_73 = tpu.memref_slice %arg11[%dma_wait3A_71, %dma_wait3A_72] : memref<10240x128xf32, #tpu.memory_space<vmem_shared>> -> memref<10240x128xf32, #tpu.memory_space<vmem_shared>>
    tpu.wait_indirect_dma semaphore(%arg15 : memref<!tpu.dma_semaphore, #tpu.memory_space<semaphore_mem>>) src(%arg8 : memref<64x128xf32, #tpu.memory_space<vmem>>) dst(%dma_wait3A_73 : memref<10240x128xf32, #tpu.memory_space<vmem_shared>>)
    %dma_wait3A_74 = arith.constant 0 : i32
    %dma_wait3A_75 = arith.constant 0 : i32
    %dma_wait3A_76 = tpu.memref_slice %arg7[%dma_wait3A_74, %dma_wait3A_75] : memref<159x64xi32, #tpu.memory_space<vmem>> -> memref<1x64xi32, #tpu.memory_space<vmem>>
    %dma_wait3A_77 = tpu.memref_squeeze %dma_wait3A_76 : memref<1x64xi32, #tpu.memory_space<vmem>> -> memref<64xi32, #tpu.memory_space<vmem>>
    %dma_wait3A_78 = arith.constant 0 : i32
    %dma_wait3A_79 = arith.constant 0 : i32
    %dma_wait3A_80 = tpu.memref_slice %arg11[%dma_wait3A_78, %dma_wait3A_79] : memref<10240x128xf32, #tpu.memory_space<vmem_shared>> -> memref<10240x128xf32, #tpu.memory_space<vmem_shared>>
    tpu.wait_indirect_dma semaphore(%arg16 : memref<!tpu.dma_semaphore, #tpu.memory_space<semaphore_mem>>) src(%arg9 : memref<64x128xf32, #tpu.memory_space<vmem>>) dst(%dma_wait3A_80 : memref<10240x128xf32, #tpu.memory_space<vmem_shared>>)
    %dma_wait3A_81 = arith.constant 0 : i32
    %dma_wait3A_82 = arith.constant 0 : i32
    %dma_wait3A_83 = tpu.memref_slice %arg7[%dma_wait3A_81, %dma_wait3A_82] : memref<159x64xi32, #tpu.memory_space<vmem>> -> memref<1x64xi32, #tpu.memory_space<vmem>>
    %dma_wait3A_84 = tpu.memref_squeeze %dma_wait3A_83 : memref<1x64xi32, #tpu.memory_space<vmem>> -> memref<64xi32, #tpu.memory_space<vmem>>
    %dma_wait3A_85 = arith.constant 0 : i32
    %dma_wait3A_86 = arith.constant 0 : i32
    %dma_wait3A_87 = tpu.memref_slice %arg11[%dma_wait3A_85, %dma_wait3A_86] : memref<10240x128xf32, #tpu.memory_space<vmem_shared>> -> memref<10240x128xf32, #tpu.memory_space<vmem_shared>>
    tpu.wait_indirect_dma semaphore(%arg17 : memref<!tpu.dma_semaphore, #tpu.memory_space<semaphore_mem>>) src(%arg10 : memref<64x128xf32, #tpu.memory_space<vmem>>) dst(%dma_wait3A_87 : memref<10240x128xf32, #tpu.memory_space<vmem_shared>>)
    %barrier3A_88 = arith.constant 0 : index
    tpu.barrier barrier_id(%barrier3A_88)
    %mul3A_89 = arith.constant 640 : i32
    %mul3A_90 = arith.muli %arg1, %mul3A_89 : i32
    %mul3A_91 = arith.constant 640 : i32
    %mul3A_92 = arith.muli %arg1, %mul3A_91 : i32
    "tpu.region"() ({
      %run_scoped3A = tpu.sem_alloc : memref<!tpu.dma_semaphore, #tpu.memory_space<semaphore_mem>>
      %dma_start3A_93 = arith.constant 0 : i32
      %dma_start3A_94 = tpu.memref_slice %arg5[%arg0, %mul3A_92, %dma_start3A_93] : memref<2x10240x128xf32, #tpu.memory_space<hbm>> -> memref<1x640x128xf32, #tpu.memory_space<hbm>>
      %dma_start3A_95 = tpu.memref_squeeze %dma_start3A_94 : memref<1x640x128xf32, #tpu.memory_space<hbm>> -> memref<640x128xf32, #tpu.memory_space<hbm>>
      %dma_start3A_96 = arith.constant 0 : i32
      %dma_start3A_97 = tpu.memref_slice %arg11[%mul3A_90, %dma_start3A_96] : memref<10240x128xf32, #tpu.memory_space<vmem_shared>> -> memref<640x128xf32, #tpu.memory_space<vmem_shared>>
      tpu.enqueue_dma source(%dma_start3A_97 : memref<640x128xf32, #tpu.memory_space<vmem_shared>>) target(%dma_start3A_95 : memref<640x128xf32, #tpu.memory_space<hbm>>) target_semaphore(%run_scoped3A : memref<!tpu.dma_semaphore, #tpu.memory_space<semaphore_mem>>)
      %dma_wait3A_98 = arith.constant 0 : i32
      %dma_wait3A_99 = tpu.memref_slice %arg5[%arg0, %mul3A_92, %dma_wait3A_98] : memref<2x10240x128xf32, #tpu.memory_space<hbm>> -> memref<1x640x128xf32, #tpu.memory_space<hbm>>
      %dma_wait3A_100 = tpu.memref_squeeze %dma_wait3A_99 : memref<1x640x128xf32, #tpu.memory_space<hbm>> -> memref<640x128xf32, #tpu.memory_space<hbm>>
      %dma_wait3A_101 = arith.constant 0 : i32
      %dma_wait3A_102 = tpu.memref_slice %arg11[%mul3A_90, %dma_wait3A_101] : memref<10240x128xf32, #tpu.memory_space<vmem_shared>> -> memref<640x128xf32, #tpu.memory_space<vmem_shared>>
      tpu.wait_dma2 semaphore(%run_scoped3A : memref<!tpu.dma_semaphore, #tpu.memory_space<semaphore_mem>>) src(%dma_wait3A_102 : memref<640x128xf32, #tpu.memory_space<vmem_shared>>) dst(%dma_wait3A_100 : memref<640x128xf32, #tpu.memory_space<hbm>>)
      tpu.yield
    }) : () -> ()
    return
  }
}

module attributes {stable_mosaic.version = 14 : i64} {
  func.func @body(%arg0: i32, %arg1: memref<1x2048x128xf32, #tpu.memory_space<vmem>>, %arg2: memref<1x2048x128xf32, #tpu.memory_space<vmem>>, %arg3: memref<128x512xf32, #tpu.memory_space<vmem>>, %arg4: memref<1x512xf32, #tpu.memory_space<vmem>>, %arg5: memref<512x48xf32, #tpu.memory_space<vmem>>, %arg6: memref<2048x48xf32, #tpu.memory_space<vmem>>) attributes {dimension_semantics = [#tpu.dimension_semantics<arbitrary>], iteration_bounds = array<i64: 5>, scalar_prefetch = 0 : i64, scratch_operands = 0 : i64, tpu.core_type = #tpu.core_type<tc>, window_params = [{transform_indices = @transform_0, window_bounds = array<i64: 1, 2048, 128>}, {transform_indices = @transform_1, window_bounds = array<i64: 1, 2048, 128>}, {pipeline_mode = #tpu.pipeline_mode<synchronous>, transform_indices = @transform_2, window_bounds = array<i64: 128, 512>}, {pipeline_mode = #tpu.pipeline_mode<synchronous>, transform_indices = @transform_3, window_bounds = array<i64: 1, 512>}, {pipeline_mode = #tpu.pipeline_mode<synchronous>, transform_indices = @transform_4, window_bounds = array<i64: 512, 48>}, {transform_indices = @transform_5, window_bounds = array<i64: 2048, 48>}]} {
    %get3A = arith.constant 0 : index
    %get3A_0 = arith.constant 0 : index
    %get3A_1 = arith.constant 0 : index
    %get3A_2 = vector.load %arg1[%get3A, %get3A_0, %get3A_1] : memref<1x2048x128xf32, #tpu.memory_space<vmem>>, vector<1x2048x128xf32>
    %get3A_3 = vector.shape_cast %get3A_2 : vector<1x2048x128xf32> to vector<2048x128xf32>
    %get3A_4 = arith.constant 0 : index
    %get3A_5 = arith.constant 0 : index
    %get3A_6 = arith.constant 0 : index
    %get3A_7 = vector.load %arg2[%get3A_4, %get3A_5, %get3A_6] : memref<1x2048x128xf32, #tpu.memory_space<vmem>>, vector<1x2048x128xf32>
    %get3A_8 = vector.shape_cast %get3A_7 : vector<1x2048x128xf32> to vector<2048x128xf32>
    %add3A = arith.addf %get3A_3, %get3A_8 : vector<2048x128xf32>
    %get3A_9 = arith.constant 0 : index
    %get3A_10 = arith.constant 0 : index
    %get3A_11 = vector.load %arg3[%get3A_9, %get3A_10] : memref<128x512xf32, #tpu.memory_space<vmem>>, vector<128x512xf32>
    %dot_general3A = arith.constant dense<0.000000e+00> : vector<2048x512xf32>
    %dot_general3A_12 = tpu.matmul %add3A, %get3A_11, %dot_general3A {dimension_numbers = #tpu.dot_dimension_numbers<[1], [0], [0], [1], [0, 0, 1, 1], [], []>, transpose_lhs_hint = false} : vector<2048x128xf32>, vector<128x512xf32>, vector<2048x512xf32> -> vector<2048x512xf32>
    %get3A_13 = arith.constant 0 : index
    %get3A_14 = arith.constant 0 : index
    %get3A_15 = vector.load %arg4[%get3A_13, %get3A_14] : memref<1x512xf32, #tpu.memory_space<vmem>>, vector<1x512xf32>
    %add3A_16 = vector.broadcast %get3A_15 : vector<1x512xf32> to vector<2048x512xf32>
    %add3A_17 = arith.addf %dot_general3A_12, %add3A_16 : vector<2048x512xf32>
    %max3A = arith.constant 0.000000e+00 : f32
    %max3A_18 = vector.broadcast %max3A : f32 to vector<2048x512xf32>
    %max3A_19 = arith.maximumf %add3A_17, %max3A_18 : vector<2048x512xf32>
    %get3A_20 = arith.constant 0 : index
    %get3A_21 = arith.constant 0 : index
    %get3A_22 = vector.load %arg5[%get3A_20, %get3A_21] : memref<512x48xf32, #tpu.memory_space<vmem>>, vector<512x48xf32>
    %dot_general3A_23 = arith.constant dense<0.000000e+00> : vector<2048x48xf32>
    %dot_general3A_24 = tpu.matmul %max3A_19, %get3A_22, %dot_general3A_23 {dimension_numbers = #tpu.dot_dimension_numbers<[1], [0], [0], [1], [0, 0, 1, 1], [], []>, transpose_lhs_hint = false} : vector<2048x512xf32>, vector<512x48xf32>, vector<2048x48xf32> -> vector<2048x48xf32>
    %swap3A = arith.constant 0 : index
    %swap3A_25 = arith.constant 0 : index
    %swap3A_26 = vector.load %arg6[%swap3A, %swap3A_25] : memref<2048x48xf32, #tpu.memory_space<vmem>>, vector<2048x48xf32>
    tpu.vector_store %arg6[%swap3A, %swap3A_25], %dot_general3A_24 {strides = array<i32>} : memref<2048x48xf32, #tpu.memory_space<vmem>>, vector<2048x48xf32>,
    return
  }
  func.func @transform_0(%arg0: i32) -> (i32, i32, i32) {
    %c0_i32 = arith.constant 0 : i32
    %c0_i32_0 = arith.constant 0 : i32
    %c0_i32_1 = arith.constant 0 : i32
    return %c0_i32, %arg0, %c0_i32_0 : i32, i32, i32
  }
  func.func @transform_1(%arg0: i32) -> (i32, i32, i32) {
    %c1_i32 = arith.constant 1 : i32
    %c0_i32 = arith.constant 0 : i32
    %c0_i32_0 = arith.constant 0 : i32
    return %c1_i32, %arg0, %c0_i32 : i32, i32, i32
  }
  func.func @transform_2(%arg0: i32) -> (i32, i32) {
    %c0_i32 = arith.constant 0 : i32
    %c0_i32_0 = arith.constant 0 : i32
    %c0_i32_1 = arith.constant 0 : i32
    return %c0_i32, %c0_i32_0 : i32, i32
  }
  func.func @transform_3(%arg0: i32) -> (i32, i32) {
    %c0_i32 = arith.constant 0 : i32
    %c0_i32_0 = arith.constant 0 : i32
    %c0_i32_1 = arith.constant 0 : i32
    return %c0_i32, %c0_i32_0 : i32, i32
  }
  func.func @transform_4(%arg0: i32) -> (i32, i32) {
    %c0_i32 = arith.constant 0 : i32
    %c0_i32_0 = arith.constant 0 : i32
    %c0_i32_1 = arith.constant 0 : i32
    return %c0_i32, %c0_i32_0 : i32, i32
  }
  func.func @transform_5(%arg0: i32) -> (i32, i32) {
    %c0_i32 = arith.constant 0 : i32
    %c0_i32_0 = arith.constant 0 : i32
    return %arg0, %c0_i32 : i32, i32
  }
}

module attributes {stable_mosaic.version = 14 : i64} {
  func.func @body(%arg0: i32, %arg1: memref<1x1024x48xf32, #tpu.memory_space<vmem>>, %arg2: memref<1x1024x48xf32, #tpu.memory_space<vmem>>, %arg3: memref<1x48xf32, #tpu.memory_space<vmem>>, %arg4: memref<1024x48xf32, #tpu.memory_space<vmem>>) attributes {dimension_semantics = [#tpu.dimension_semantics<arbitrary>], iteration_bounds = array<i64: 10>, scalar_prefetch = 0 : i64, scratch_operands = 0 : i64, tpu.core_type = #tpu.core_type<tc>, window_params = [{transform_indices = @transform_0, window_bounds = array<i64: 1, 1024, 48>}, {transform_indices = @transform_1, window_bounds = array<i64: 1, 1024, 48>}, {pipeline_mode = #tpu.pipeline_mode<synchronous>, transform_indices = @transform_2, window_bounds = array<i64: 1, 48>}, {transform_indices = @transform_3, window_bounds = array<i64: 1024, 48>}]} {
    %get3A = arith.constant 0 : index
    %get3A_0 = arith.constant 0 : index
    %get3A_1 = arith.constant 0 : index
    %get3A_2 = vector.load %arg1[%get3A, %get3A_0, %get3A_1] : memref<1x1024x48xf32, #tpu.memory_space<vmem>>, vector<1x1024x48xf32>
    %get3A_3 = vector.shape_cast %get3A_2 : vector<1x1024x48xf32> to vector<1024x48xf32>
    %get3A_4 = arith.constant 0 : index
    %get3A_5 = arith.constant 0 : index
    %get3A_6 = arith.constant 0 : index
    %get3A_7 = vector.load %arg2[%get3A_4, %get3A_5, %get3A_6] : memref<1x1024x48xf32, #tpu.memory_space<vmem>>, vector<1x1024x48xf32>
    %get3A_8 = vector.shape_cast %get3A_7 : vector<1x1024x48xf32> to vector<1024x48xf32>
    %add3A = arith.addf %get3A_3, %get3A_8 : vector<1024x48xf32>
    %get3A_9 = arith.constant 0 : index
    %get3A_10 = arith.constant 0 : index
    %get3A_11 = vector.load %arg3[%get3A_9, %get3A_10] : memref<1x48xf32, #tpu.memory_space<vmem>>, vector<1x48xf32>
    %add3A_12 = vector.broadcast %get3A_11 : vector<1x48xf32> to vector<1024x48xf32>
    %add3A_13 = arith.addf %add3A, %add3A_12 : vector<1024x48xf32>
    %swap3A = arith.constant 0 : index
    %swap3A_14 = arith.constant 0 : index
    %swap3A_15 = vector.load %arg4[%swap3A, %swap3A_14] : memref<1024x48xf32, #tpu.memory_space<vmem>>, vector<1024x48xf32>
    tpu.vector_store %arg4[%swap3A, %swap3A_14], %add3A_13 {strides = array<i32>} : memref<1024x48xf32, #tpu.memory_space<vmem>>, vector<1024x48xf32>,
    return
  }
  func.func @transform_0(%arg0: i32) -> (i32, i32, i32) {
    %c0_i32 = arith.constant 0 : i32
    %c0_i32_0 = arith.constant 0 : i32
    %c0_i32_1 = arith.constant 0 : i32
    return %c0_i32, %arg0, %c0_i32_0 : i32, i32, i32
  }
  func.func @transform_1(%arg0: i32) -> (i32, i32, i32) {
    %c1_i32 = arith.constant 1 : i32
    %c0_i32 = arith.constant 0 : i32
    %c0_i32_0 = arith.constant 0 : i32
    return %c1_i32, %arg0, %c0_i32 : i32, i32, i32
  }
  func.func @transform_2(%arg0: i32) -> (i32, i32) {
    %c0_i32 = arith.constant 0 : i32
    %c0_i32_0 = arith.constant 0 : i32
    %c0_i32_1 = arith.constant 0 : i32
    return %c0_i32, %c0_i32_0 : i32, i32
  }
  func.func @transform_3(%arg0: i32) -> (i32, i32) {
    %c0_i32 = arith.constant 0 : i32
    %c0_i32_0 = arith.constant 0 : i32
    return %arg0, %c0_i32 : i32, i32
  }
}

</mosaic_0001>

<sc_bundles>
// kernel: kernel.6.cloned.1.call-start
scs
__scs_entry_jumppad:
0x0: {  	(pc) =	sbr.rel $0x88, $3  }
0x1: {  	(tag) =	ssettag $0x0;
	lr =	simm.s32 $0x1  }
0x2: {  	[smem:$0x3F9B] =	sst lr;
	_ =	strace $0xD0000000  }
0x3: {  	_ = 	snop  }
0x4: {  	_ = 	snop  }
0x5: {  	_ = 	snop  }
0x6: {  	_ = 	snop  }
0x7: {  	_ = 	snop  }
__scs_overlays_trampoline_lowered:
0x8: {  	[smem:$0x3FAA] =	sst s0  }
0x9: {  	[smem:$0x3FAB] =	sst s1  }
0xa: {  	[smem:$0x3FAC] =	sst s2  }
0xb: {  	[smem:$0x3FAD] =	sst s3  }
0xc: {  	[smem:$0x3FAE] =	sst s4  }
0xd: {  	[smem:$0x3FAF] =	sst s5  }
0xe: {  	[smem:$0x3FB0] =	sst s6  }
0xf: {  	[smem:$0x3FB1] =	sst s7  }
0x10: {  	[smem:$0x3FB2] =	sst s8  }
0x11: {  	[smem:$0x3FB3] =	sst s9;
	s0 =	simm.s32 @!p0 $0x0  }
0x12: {  	s1 =	sld [smem:$0x3F99];
	s0 =	simm.s32 @p0 $0x1  }
0x13: {  	[smem:$0x3FB4] =	sst s0;
	s0 =	simm.s32 @!p1 $0x0  }
0x14: {  	s2 =	sld [smem:$0x3F98];
	s0 =	simm.s32 @p1 $0x1  }
0x15: {  	[smem:$0x3FB5] =	sst s0;
	s0 =	simm.s32 @!p2 $0x0  }
0x16: {  	s3 =	sld [smem:$0x3FDB];
	s0 =	simm.s32 @p2 $0x1  }
0x17: {  	s4 =	simm.s32 $0x1BF5;
	[smem:$0x3FB7] =	sst s0  }
0x18: {  	s0 =	sld [smem:$0x3F9A];
	_ =	swait.ge [sflag:s4], $0x0  }
0x19: {  	s7 =	sld [smem:$0x3F9B]  }
0x1a: {  	s8 =	sadd.s32 $0xFFFFE003, lr  }
0x1b: {  	s9 =	sadd.s32 $0xFFFFFEF7, lr;
	s5 =	simm.s32 $0xFFFFFFFF;
	p2 =	slt.u32 s8, $0xFFFFF086  }
0x1c: {  	p1 =	slt.u32 s9, $0xF7A;
	s5 =	simm.s32 @!p2 $0x0  }
0x1d: {  	s5 =	simm.s32 @p1 $0x1;
	p0 =	seq.s32 s7, s2  }
0x1e: {  	s7 =	smul.u32 @!p0 $0xF7A, s2;
	p2 =	seq.s32 @!p0 s5, $0x0  }
0x1f: {  	s9 =	smul.u32 $0xF7A, s1;
	s8 =	simm.s32 @!p0 $0x1BF5;
	p2 =	por !p2, p0  }
0x20: {  	[sflag:s8] =	ssyncset.s32 @!p0 $0xFFFFF086;
	s6 =	sadd.s32 @!p0 s3, s7;
	s7 =	simm.s32 @!p0 $0x108  }
0x21: {  	s3 =	sadd.s32 s3, s9;
	s6 =	sadd.s32 @!p0 $0x88, s6;
	s7 =	simm.s32 @p2 $0x1082  }
0x22: {  	[simem:s7], [sflag:s8] =	dma.local @!p0 [hbm:s6], $0xF7A  }
0x23: {  	s9 =	sor.u32 $0xD0000000, s2;
	s6 =	simm.s32 $0x108;
	_ =	swait.ge @!p0 [sflag:s8], $0x0  }
0x24: {  	s3 =	sadd.s32 $0x88, s3;
	s6 =	simm.s32 @!p1 $0x1082;
	[sflag:s4] =	ssyncset.s32 $0xFFFFF086  }
0x25: {  	[simem:s6], [sflag:s4] =	dma.local [hbm:s3], $0xF7A  }
0x26: {  	[smem:$0x3F9B] =	sst s1;
	(tag) =	ssettag s2;
	_ =	strace s9  }
0x27: {  	s1 =	sld [smem:$0x3FAB]  }
0x28: {  	s2 =	sld [smem:$0x3FAC]  }
0x29: {  	s4 =	sld [smem:$0x3FAE]  }
0x2a: {  	p0 =	seq.s32 s5, $0x0;
	s5 =	sld [smem:$0x3FAF]  }
0x2b: {  	s6 =	sld [smem:$0x3FB0]  }
0x2c: {  	s7 =	sld [smem:$0x3FB1]  }
0x2d: {  	s3 =	simm.s32 $0x108;
	s8 =	sld [smem:$0x3FB2]  }
0x2e: {  	s3 =	simm.s32 @!p0 $0x1082;
	s9 =	sld [smem:$0x3FB3]  }
0x2f: {  	lr =	sadd.s32 s0, s3;
	s0 =	sld [smem:$0x3FAA]  }
0x30: {  	s3 =	sld [smem:$0x3FAD]  }
0x31: {  	[smem:$0x3FB6] =	sst s10  }
0x32: {  	s10 =	sld [smem:$0x3FB4];
	_ =	sdelay $0x3  }
0x33: {  	p0 =	seq.s32 s10, $0x1;
	s10 =	sld [smem:$0x3FB6];
	_ =	sdelay $0x3  }
0x34: {  	[smem:$0x3FB6] =	sst s10  }
0x35: {  	s10 =	sld [smem:$0x3FB5];
	_ =	sdelay $0x3  }
0x36: {  	p1 =	seq.s32 s10, $0x1;
	s10 =	sld [smem:$0x3FB6];
	_ =	sdelay $0x3  }
0x37: {  	[smem:$0x3FB6] =	sst s10  }
0x38: {  	s10 =	sld [smem:$0x3FB7]  }
0x39: {  	_ = 	snop;
	(pc) =	sbr.ind lr, $3  }
0x3a: {  	_ = 	snop  }
0x3b: {  	_ = 	snop  }
0x3c: {  	p2 =	seq.s32 s10, $0x1;
	s10 =	sld [smem:$0x3FB6]  }
0x3d: {  	_ =	shalt  }
0x3e: {  	_ =	shalt  }
0x3f: {  	_ =	shalt  }
0x40: {  	_ =	shalt  }
0x41: {  	_ =	shalt  }
0x42: {  	_ =	shalt  }
0x43: {  	_ =	shalt  }
0x44: {  	_ =	shalt  }
0x45: {  	_ =	shalt  }
0x46: {  	_ =	shalt  }
0x47: {  	_ =	shalt  }
0x48: {  	_ =	shalt  }
0x49: {  	_ =	shalt  }
0x4a: {  	_ =	shalt  }
0x4b: {  	_ =	shalt  }
0x4c: {  	_ =	shalt  }
0x4d: {  	_ =	shalt  }
0x4e: {  	_ =	shalt  }
0x4f: {  	_ =	shalt  }
0x50: {  	_ =	shalt  }
0x51: {  	_ =	shalt  }
0x52: {  	_ =	shalt  }
0x53: {  	_ =	shalt  }
0x54: {  	_ =	shalt  }
0x55: {  	_ =	shalt  }
0x56: {  	_ =	shalt  }
0x57: {  	_ =	shalt  }
0x58: {  	_ =	shalt  }
0x59: {  	_ =	shalt  }
0x5a: {  	_ =	shalt  }
0x5b: {  	_ =	shalt  }
0x5c: {  	_ =	shalt  }
0x5d: {  	_ =	shalt  }
0x5e: {  	_ =	shalt  }
0x5f: {  	_ =	shalt  }
0x60: {  	_ =	shalt  }
0x61: {  	_ =	shalt  }
0x62: {  	_ =	shalt  }
0x63: {  	_ =	shalt  }
0x64: {  	_ =	shalt  }
0x65: {  	_ =	shalt  }
0x66: {  	_ =	shalt  }
0x67: {  	_ =	shalt  }
0x68: {  	_ =	shalt  }
0x69: {  	_ =	shalt  }
0x6a: {  	_ =	shalt  }
0x6b: {  	_ =	shalt  }
0x6c: {  	_ =	shalt  }
0x6d: {  	_ =	shalt  }
0x6e: {  	_ =	shalt  }
0x6f: {  	_ =	shalt  }
0x70: {  	_ =	shalt  }
0x71: {  	_ =	shalt  }
0x72: {  	_ =	shalt  }
0x73: {  	_ =	shalt  }
0x74: {  	_ =	shalt  }
0x75: {  	_ =	shalt  }
0x76: {  	_ =	shalt  }
0x77: {  	_ =	shalt  }
0x78: {  	_ =	shalt  }
0x79: {  	_ =	shalt  }
0x7a: {  	_ =	shalt  }
0x7b: {  	_ =	shalt  }
0x7c: {  	_ =	shalt  }
0x7d: {  	_ =	shalt  }
0x7e: {  	_ =	shalt  }
0x7f: {  	_ =	shalt  }
0x80: {  	_ =	shalt  }
0x81: {  	_ =	shalt  }
0x82: {  	_ =	shalt  }
0x83: {  	_ =	shalt  }
0x84: {  	_ =	shalt  }
0x85: {  	_ =	shalt  }
0x86: {  	_ =	shalt  }
0x87: {  	_ =	shalt  }
.Lfunc_end0:
.L_simem_size_0:
called_computation_lowered:
.L_overlay_start_0:
0x88: {  	s2 =	sld [smem:$0x3FD9]  }
0x89: {  	s3 =	sld [smem:$0x3FFE];
	_ =	sdelay $0x1  }
0x8a: {  	s1 =	srdreg.scid  }
0x8b: {  	s0 =	sand.u32 $0x1, s1  }
0x8c: {  	s17 =	sshll.u32 s0, $0xA;
	s2 =	sadd.s32 s3, s2  }
0x8d: {  	s2 =	sadd.s32 s2, s17  }
0x8e: {  	[smem:$0x3FC2] =	sst s2  }
0x8f: {  	_ = 	snop  }
0x90: {  	s2 =	sld [smem:$0x3FC9];
	(tm) =	ssettm $0x1  }
0x91: {  	s18 =	sld [smem:$0x3FFB];
	_ =	sdelay $0x3  }
0x92: {  	_ =	strace s18  }
0x93: {  	s3 =	sld [smem:$0x3FFC];
	_ =	sdelay $0x3  }
0x94: {  	_ =	strace s3  }
0x95: {  	s3 =	sld [smem:$0x3FFD];
	_ =	sdelay $0x3  }
0x96: {  	_ =	strace s3  }
0x97: {  	_ =	strace $0x8FFFFFFF  }
0x98: {  	s19 =	sld [smem:$0x3FDB];
	_ =	sdelay $0x1  }
0x99: {  	s4 =	simm.s32 $_scs_section_size  }
0x9a: {  	s5 =	simm.s32 $_size__tile_overlayer_lowered;
	s6 =	simm.s32 $_tile_overlayer_lowered  }
0x9b: {  	s22 =	simm.s32 $0x1BFF;
	s21 =	sshll.u32 s6, $0x1;
	s3 =	sadd.s32 s4, s19  }
0x9c: {  	s7 =	simm.s32 $0x0;
	s20 =	sshll.u32 s5, $0x1;
	s5 =	sadd.s32 s21, s3  }
0x9d: {  	[timem:s7], [sflag:s22] =	dma.local [hbm:s5], s20  }
0x9e: {  	_ =	swait.ge [sflag:s22], s20  }
0x9f: {  	s4 =	ssub.s32 $0x0, s20;
	[sflag:s22] =	ssyncset.done $0x0  }
0xa0: {  	[sflag:s22] =	ssyncadd.s32 s4;
	_ =	sdelay $0x1  }
0xa1: {  	s23 =	simm.s32 $0x1B8B  }
0xa2: {  	_ =	swait.ge [sflag:s23], $0x1  }
0xa3: {  	[sflag:s23] =	ssyncset.done $0x0  }
0xa4: {  	s25 =	simm.s32 $0x1B8E;
	s24 =	sld [smem:$0x3FFE];
	[sflag:s23] =	ssyncadd.s32 $0xFFFFFFFF  }
0xa5: {  	s26 =	simm.s32 $execute0_lowered;
	[smem:$0x3FD2] =	sst s25  }
0xa6: {  	s5 =	sshll.u32 s26, $0x1;
	_ =	strace $0x80000046;
	[dreg:$0x1] =	wrdreg $0xFFFFFFFF  }
0xa7: {  	s28 =	simm.s32 $_size_execute0_lowered;
	s3 =	sadd.s32 s3, s5;
	[dreg:$0x0] =	wrdreg $0x0  }
0xa8: {  	s5 =	sshll.u32 s28, $0x1;
	[dreg:$0x2] =	wrdreg s3  }
0xa9: {  	[dreg:$0x3] =	wrdreg s5  }
0xaa: {  	[dreg:$0x4] =	wrdreg $0xC0  }
0xab: {  	_ =	task [dreg:s7], $0x5FFFF  }
0xac: {  	[dreg:$0x1] =	wrdreg $0xFFFFFFFF  }
0xad: {  	[dreg:$0x0] =	wrdreg $0x60  }
0xae: {  	[dreg:$0x2] =	wrdreg s2  }
0xaf: {  	[dreg:$0x3] =	wrdreg s24  }
0xb0: {  	[dreg:$0x4] =	wrdreg $0xAF800  }
0xb1: {  	[dreg:$0x5] =	wrdreg $0x9  }
0xb2: {  	_ =	task.clear_ibuf [dreg:s7], $0x6FFFF;
	_ =	strace $0x90000046  }
0xb3: {  	s29 =	simm.s32 $0x9;
	_ =	strace $0x80000048  }
0xb4: {  	_ =	swait.ge [sflag:s29], $0x1  }
0xb5: {  	[sflag:s29] =	ssyncadd.s32 $0xFFFFFFFF  }
0xb6: {  	_ =	strace $0x90000048  }
0xb7: {  	_ =	sfence  }
0xb8: {  	s30 =	sld [smem:$0x0];
	_ =	sdelay $0x2  }
0xb9: {  	s31 =	sshll.u32 s1, $0xD;
	s1 =	sshrl.u32 s1, $0x2  }
0xba: {  	s3 =	sand.u32 $0x4000, s31;
	s1 =	sadd.s32 s1, s30  }
0xbb: {  	s0 =	sor.u32 s3, s0;
	s1 =	sshll.u32 s1, $0x11  }
0xbc: {  	s0 =	sor.u32 s1, s0  }
0xbd: {  	s0 =	sadd.s32 $0x8F2B, s0  }
0xbe: {  	[sflag:s0] =	ssyncadd.remote.s32 $0x1  }
0xbf: {  	_ =	sfence.sel $0xFFFF  }
0xc0: {  	[dreg:$0x0] =	wrdreg $0xFFFFFFFF;
	(pc) =	sbr.abs _section_cstart, $3  }
0xc1: {  	[dreg:$0x1] =	wrdreg $0xFFFFFFFF  }
0xc2: {  	_ =	task.clear_ibuf [dreg:s7], $0x2FFFF;
	_ =	strace $0x9FFFFFFF  }
0xc3: {  	(tm) =	ssettm $0x7FFFFFFF  }
tec
execute0_lowered:
.L_overlay_start_1:
0x0: {  	(tag) =	ssettag $0x1  }
0x1: {  	s1 =	rddreg [dreg:$0x0]  }
0x2: {  	s0 =	rddreg [dreg:$0x1]  }
0x3: {  	s2 =	rddreg [dreg:$0x2];
	s3 =	srdreg.scid;
	s5 =	simm.s32 $0x0  }
0x4: {  	s8 =	stileid.u32;
	s20 =	simm.s32 $0x4F80;
	s21 =	simm.s32 $0x9  }
0x5: {  	s29 =	simm.s32 $0x8F80;
	s30 =	simm.s32 $0x1;
	s31 =	simm.s32 $0x2  }
0x6: {  	s19 =	simm.s32 $0x5;
	s3 =	sand.u32 $0x1, s3;
	s6 =	smul.u32 $0x14000, s8  }
0x7: {  	[smem:$0x7FF] =	sst s5;
	s22 =	sshll.u32 s8, $0x1;
	s8 =	smul.u32 $0x50000, s8  }
0x8: {  	s28 =	simm.s32 $0x6;
	s4 =	smul.u32 $0x140000, s3;
	_ =	strace $0x80000047  }
0x9: {  	s5 =	sor.u32 s3, s22;
	s3 =	ssub.s32 $0x2, s3;
	s22 =	simm.s32 $0x7  }
0xa: {  	s5 =	smul.u32 $0x4F8, s5;
	s7 =	sshrl.u32 s3, $0x1;
	s25 =	sshrl.u32 s8, $0x2  }
0xb: {  	s26 =	sadd.s32 s6, s2;
	s4 =	sadd.s32 s6, s4;
	s3 =	ssub.s32 s3, s7  }
0xc: {  	s7 =	sadd.s32 s25, s2;
	s25 =	sshrl.u32 s26, $0x3;
	s26 =	simm.s32 $0x6F80  }
0xd: {  	s4 =	sshrl.u32 s4, $0x3;
	s5 =	sadd.s32 s5, s0;
	s9 =	smax.u32 s3, $0x1  }
0xe: {  	s10 =	sadd.s32 $0x2000, s7;
	s11 =	sadd.s32 $0x4000, s7;
	s12 =	sadd.s32 $0x6000, s7  }
0xf: {  	s13 =	sadd.s32 $0x8000, s7;
	s14 =	sadd.s32 $0xA000, s7;
	s15 =	sadd.s32 $0xC000, s7  }
0x10: {  	s16 =	sadd.s32 $0xE000, s7;
	s17 =	sadd.s32 $0x10000, s7;
	s18 =	sadd.s32 $0x12000, s7  }
0x11: {  	s3 =	simm.s32 $0x4;
	s0 =	sadd.s32 s4, s0;
	s23 =	sadd.s32 $0xA00, s5  }
0x12: {  	s24 =	sadd.s32 $0xAA00, s5;
	s4 =	simm.s32 $0x0;
	[dreg:$0x4] =	wrdreg s23  }
0x13: {  	[dreg:$0x5] =	wrdreg s24;
	s0 =	sadd.s32 $0x14A00, s0;
	s23 =	simm.s32 $0x8  }
0x14: {  	v0 =	vimm.f32 $0.0e+00;
	s24 =	simm.s32 $0x40;
	[dreg:$0x6] =	wrdreg s0;
	s0 =	simm.s32 $0x3  }
.LBB2_1:
0x15: {  	s5 =	simm.s32 $0x0;
	s6 =	rddreg [dreg:$0x4]  }
0x16: {  	[tilespmem:s5], [sflag:$0x7] =	stream.linear.gather [hbm4b:s6+s5], $0x27C0, $0x38;
	[tilespmem:$0x1EF80] =	vst v63  }
0x17: {  	s8 =	simm.s32 $0x27C0;
	s6 =	rddreg [dreg:$0x5]  }
0x18: {  	[tilespmem:s8], [sflag:$0x8] =	stream.linear.gather [hbm4b:s6+s5], $0x27C0, $0x38;
	[tilespmem:$0x1EF80] =	vst v63  }
0x19: {  	s5 =	simm.s32 $0x0;
	s6 =	simm.s32 $0x200  }
.LBB2_2:
0x1a: {  	p0 =	sne.s32 s6, $0x7E00;
	[tilespmem:s5+$0x4FF0] =	vst v0  }
0x1b: {  	[tilespmem:s5+$0x4F80] =	vst v0  }
0x1c: {  	[tilespmem:s5+$0x4F90] =	vst v0  }
.Ltmp0:
0x1d: {  	[tilespmem:s5+$0x4FA0] =	vst v0;
	(pc) =	sbr.rel @p0 .LBB2_2-.Ltmp0, $4  }
0x1e: {  	[tilespmem:s5+$0x4FB0] =	vst v0  }
0x1f: {  	[tilespmem:s5+$0x4FC0] =	vst v0  }
0x20: {  	[tilespmem:s5+$0x4FD0] =	vst v0  }
0x21: {  	[tilespmem:s5+$0x4FE0] =	vst v0;
	s5 =	sshra.s32 s6, $0x2;
	s6 =	sadd.s32 $0x200, s6  }
0x22: {  	[tilespmem:s5+$0x4FF0] =	vst v0  }
0x23: {  	[tilespmem:s5+$0x4F80] =	vst v0  }
0x24: {  	[tilespmem:s5+$0x4F90] =	vst v0  }
0x25: {  	[tilespmem:s5+$0x4FA0] =	vst v0  }
0x26: {  	[tilespmem:s5+$0x4FB0] =	vst v0  }
0x27: {  	[tilespmem:s5+$0x4FC0] =	vst v0  }
0x28: {  	[tilespmem:s5+$0x4FD0] =	vst v0  }
0x29: {  	[tilespmem:s5+$0x4FE0] =	vst v0  }
0x2a: {  	[spmem:s7] =	stream.linear.scatter [tilespmem:s20], [sflag:$0x9], $0x2000, $0x38;
	[tilespmem:$0x1EF80] =	vst v63  }
0x2b: {  	_ =	swait.ge [sflag:s21], $0x2000  }
0x2c: {  	[sflag:s21] =	ssyncset.done $0x0  }
0x2d: {  	[sflag:s21] =	ssyncadd.s32 $0xFFFFE000  }
0x2e: {  	[spmem:s10] =	stream.linear.scatter [tilespmem:s20], [sflag:$0x9], $0x2000, $0x38;
	[tilespmem:$0x1EF80] =	vst v63  }
0x2f: {  	_ =	swait.ge [sflag:s21], $0x2000  }
0x30: {  	[sflag:s21] =	ssyncset.done $0x0  }
0x31: {  	[sflag:s21] =	ssyncadd.s32 $0xFFFFE000  }
0x32: {  	[spmem:s11] =	stream.linear.scatter [tilespmem:s20], [sflag:$0x9], $0x2000, $0x38;
	[tilespmem:$0x1EF80] =	vst v63  }
0x33: {  	_ =	swait.ge [sflag:s21], $0x2000  }
0x34: {  	[sflag:s21] =	ssyncset.done $0x0  }
0x35: {  	[sflag:s21] =	ssyncadd.s32 $0xFFFFE000  }
0x36: {  	[spmem:s12] =	stream.linear.scatter [tilespmem:s20], [sflag:$0x9], $0x2000, $0x38;
	[tilespmem:$0x1EF80] =	vst v63  }
0x37: {  	_ =	swait.ge [sflag:s21], $0x2000  }
0x38: {  	[sflag:s21] =	ssyncset.done $0x0  }
0x39: {  	[sflag:s21] =	ssyncadd.s32 $0xFFFFE000  }
0x3a: {  	[spmem:s13] =	stream.linear.scatter [tilespmem:s20], [sflag:$0x9], $0x2000, $0x38;
	[tilespmem:$0x1EF80] =	vst v63  }
0x3b: {  	_ =	swait.ge [sflag:s21], $0x2000  }
0x3c: {  	[sflag:s21] =	ssyncset.done $0x0  }
0x3d: {  	[sflag:s21] =	ssyncadd.s32 $0xFFFFE000  }
0x3e: {  	[spmem:s14] =	stream.linear.scatter [tilespmem:s20], [sflag:$0x9], $0x2000, $0x38;
	[tilespmem:$0x1EF80] =	vst v63  }
0x3f: {  	_ =	swait.ge [sflag:s21], $0x2000  }
0x40: {  	[sflag:s21] =	ssyncset.done $0x0  }
0x41: {  	[sflag:s21] =	ssyncadd.s32 $0xFFFFE000  }
0x42: {  	[spmem:s15] =	stream.linear.scatter [tilespmem:s20], [sflag:$0x9], $0x2000, $0x38;
	[tilespmem:$0x1EF80] =	vst v63  }
0x43: {  	_ =	swait.ge [sflag:s21], $0x2000  }
0x44: {  	[sflag:s21] =	ssyncset.done $0x0  }
0x45: {  	[sflag:s21] =	ssyncadd.s32 $0xFFFFE000  }
0x46: {  	[spmem:s16] =	stream.linear.scatter [tilespmem:s20], [sflag:$0x9], $0x2000, $0x38;
	[tilespmem:$0x1EF80] =	vst v63  }
0x47: {  	_ =	swait.ge [sflag:s21], $0x2000  }
0x48: {  	[sflag:s21] =	ssyncset.done $0x0  }
0x49: {  	[sflag:s21] =	ssyncadd.s32 $0xFFFFE000  }
0x4a: {  	[spmem:s17] =	stream.linear.scatter [tilespmem:s20], [sflag:$0x9], $0x2000, $0x38;
	[tilespmem:$0x1EF80] =	vst v63  }
0x4b: {  	_ =	swait.ge [sflag:s21], $0x2000  }
0x4c: {  	[sflag:s21] =	ssyncset.done $0x0  }
0x4d: {  	[sflag:s21] =	ssyncadd.s32 $0xFFFFE000  }
0x4e: {  	[spmem:s18] =	stream.linear.scatter [tilespmem:s20], [sflag:$0x9], $0x2000, $0x38;
	[tilespmem:$0x1EF80] =	vst v63  }
0x4f: {  	_ =	swait.ge [sflag:s21], $0x2000  }
0x50: {  	[sflag:s21] =	ssyncset.done $0x0  }
0x51: {  	[sflag:s21] =	ssyncadd.s32 $0xFFFFE000  }
0x52: {  	[bflag:$0x0] =	sbarrier.arrive $0xFFFF  }
0x53: {  	_ =	swait.ge [sflag:s22], $0x27C0  }
0x54: {  	[sflag:s22] =	ssyncset.done $0x0  }
0x55: {  	[sflag:s22] =	ssyncadd.s32 $0xFFFFD840  }
0x56: {  	_ =	swait.ge [sflag:s23], $0x27C0  }
0x57: {  	[sflag:s23] =	ssyncset.done $0x0  }
0x58: {  	s8 =	simm.s32 $0x0;
	[sflag:s23] =	ssyncadd.s32 $0xFFFFD840  }
0x59: {  	[tilespmem:s20], [sflag:$0x1] =	stream.indirect.gather [hbm4b:s1+s24], $0x80, s8, s24, $0xb8;
	[tilespmem:$0x1EF80] =	vst v63  }
0x5a: {  	_ = 	snop  }
0x5b: {  	[tilespmem:s26], [sflag:$0x2] =	stream.indirect.gather [hbm4b:s1+s24], $0x80, s24, s24, $0xb8;
	[tilespmem:$0x1EF80] =	vst v63  }
0x5c: {  	s6 =	simm.s32 $0x80  }
0x5d: {  	[tilespmem:s29], [sflag:$0x3] =	stream.indirect.gather [hbm4b:s1+s24], $0x80, s6, s24, $0xb8;
	[tilespmem:$0x1EF80] =	vst v63  }
0x5e: {  	_ =	swait.ge [sflag:s30], $0x2000  }
0x5f: {  	[sflag:s30] =	ssyncset.done $0x0  }
0x60: {  	s8 =	simm.s32 $0x27C0;
	[sflag:s30] =	ssyncadd.s32 $0xFFFFE000  }
0x61: {  	[spmem:s2] =	stream.indirect.scatter.add.f32 [tilespmem:s20], [sflag:$0x4], $0x80, s8, s24, $0xb8;
	[tilespmem:$0x1EF80] =	vst v63  }
0x62: {  	_ =	swait.ge [sflag:s31], $0x2000  }
0x63: {  	[sflag:s31] =	ssyncset.done $0x0  }
0x64: {  	s6 =	simm.s32 $0x2800;
	[sflag:s31] =	ssyncadd.s32 $0xFFFFE000  }
0x65: {  	[spmem:s2] =	stream.indirect.scatter.add.f32 [tilespmem:s26], [sflag:$0x5], $0x80, s6, s24, $0xb8;
	[tilespmem:$0x1EF80] =	vst v63  }
0x66: {  	_ =	swait.ge [sflag:s0], $0x2000  }
0x67: {  	[sflag:s0] =	ssyncset.done $0x0  }
0x68: {  	s8 =	simm.s32 $0x2840;
	[sflag:s0] =	ssyncadd.s32 $0xFFFFE000  }
0x69: {  	[spmem:s2] =	stream.indirect.scatter.add.f32 [tilespmem:s29], [sflag:$0x6], $0x80, s8, s24, $0xb8;
	[tilespmem:$0x1EF80] =	vst v63  }
0x6a: {  	_ =	swait.ge [sflag:s3], $0x2000  }
0x6b: {  	[sflag:s3] =	ssyncset.done $0x0  }
0x6c: {  	s6 =	simm.s32 $0xC0;
	[sflag:s3] =	ssyncadd.s32 $0xFFFFE000  }
0x6d: {  	[tilespmem:s20], [sflag:$0x1] =	stream.indirect.gather [hbm4b:s1+s24], $0x80, s6, s24, $0xb8;
	[tilespmem:$0x1EF80] =	vst v63  }
0x6e: {  	_ =	swait.ge [sflag:s19], $0x2000  }
0x6f: {  	[sflag:s19] =	ssyncset.done $0x0  }
0x70: {  	s8 =	simm.s32 $0x100;
	[sflag:s19] =	ssyncadd.s32 $0xFFFFE000  }
0x71: {  	[tilespmem:s26], [sflag:$0x2] =	stream.indirect.gather [hbm4b:s1+s24], $0x80, s8, s24, $0xb8;
	[tilespmem:$0x1EF80] =	vst v63  }
0x72: {  	_ =	swait.ge [sflag:s28], $0x2000  }
0x73: {  	[sflag:s28] =	ssyncset.done $0x0  }
0x74: {  	s5 =	simm.s32 $0x300;
	s6 =	simm.s32 $0x140;
	[sflag:s28] =	ssyncadd.s32 $0xFFFFE000  }
.LBB2_4:
0x75: {  	[tilespmem:s29], [sflag:$0x3] =	stream.indirect.gather [hbm4b:s1+s24], $0x80, s6, s24, $0xb8;
	[tilespmem:$0x1EF80] =	vst v63  }
0x76: {  	s6 =	smov.u32 s5  }
0x77: {  	p0 =	sne.s32 s5, $0x9900;
	s5 =	sadd.s32 $0x300, s5;
	_ =	swait.ge [sflag:s30], $0x2000  }
0x78: {  	s6 =	sshra.s32 s6, $0x2;
	[sflag:s30] =	ssyncset.done $0x0  }
0x79: {  	s8 =	sadd.s32 $0x27C0, s6;
	[sflag:s30] =	ssyncadd.s32 $0xFFFFE000  }
0x7a: {  	[spmem:s2] =	stream.indirect.scatter.add.f32 [tilespmem:s20], [sflag:$0x4], $0x80, s8, s24, $0xb8;
	[tilespmem:$0x1EF80] =	vst v63  }
0x7b: {  	_ =	swait.ge [sflag:s31], $0x2000  }
0x7c: {  	[sflag:s31] =	ssyncset.done $0x0  }
0x7d: {  	s8 =	sadd.s32 $0x2800, s6;
	[sflag:s31] =	ssyncadd.s32 $0xFFFFE000  }
0x7e: {  	[spmem:s2] =	stream.indirect.scatter.add.f32 [tilespmem:s26], [sflag:$0x5], $0x80, s8, s24, $0xb8;
	[tilespmem:$0x1EF80] =	vst v63  }
0x7f: {  	_ =	swait.ge [sflag:s0], $0x2000  }
0x80: {  	[sflag:s0] =	ssyncset.done $0x0  }
0x81: {  	s8 =	sadd.s32 $0x2840, s6;
	[sflag:s0] =	ssyncadd.s32 $0xFFFFE000  }
0x82: {  	[spmem:s2] =	stream.indirect.scatter.add.f32 [tilespmem:s29], [sflag:$0x6], $0x80, s8, s24, $0xb8;
	[tilespmem:$0x1EF80] =	vst v63  }
0x83: {  	_ =	swait.ge [sflag:s3], $0x2000  }
0x84: {  	[sflag:s3] =	ssyncset.done $0x0  }
0x85: {  	s8 =	sadd.s32 $0xC0, s6;
	[sflag:s3] =	ssyncadd.s32 $0xFFFFE000  }
0x86: {  	[tilespmem:s20], [sflag:$0x1] =	stream.indirect.gather [hbm4b:s1+s24], $0x80, s8, s24, $0xb8;
	[tilespmem:$0x1EF80] =	vst v63  }
0x87: {  	_ =	swait.ge [sflag:s19], $0x2000  }
0x88: {  	[sflag:s19] =	ssyncset.done $0x0  }
.Ltmp1:
0x89: {  	s8 =	sadd.s32 $0x100, s6;
	[sflag:s19] =	ssyncadd.s32 $0xFFFFE000;
	(pc) =	sbr.rel @p0 .LBB2_4-.Ltmp1, $4  }
0x8a: {  	[tilespmem:s26], [sflag:$0x2] =	stream.indirect.gather [hbm4b:s1+s24], $0x80, s8, s24, $0xb8;
	[tilespmem:$0x1EF80] =	vst v63  }
0x8b: {  	_ =	swait.ge [sflag:s28], $0x2000  }
0x8c: {  	[sflag:s28] =	ssyncset.done $0x0  }
0x8d: {  	s6 =	sadd.s32 $0x140, s6;
	[sflag:s28] =	ssyncadd.s32 $0xFFFFE000  }
0x8e: {  	[tilespmem:s29], [sflag:$0x3] =	stream.indirect.gather [hbm4b:s1+s24], $0x80, s6, s24, $0xb8;
	[tilespmem:$0x1EF80] =	vst v63  }
0x8f: {  	_ =	swait.ge [sflag:s30], $0x2000  }
0x90: {  	[sflag:s30] =	ssyncset.done $0x0  }
0x91: {  	s5 =	simm.s32 $0x4EC0;
	[sflag:s30] =	ssyncadd.s32 $0xFFFFE000  }
0x92: {  	[spmem:s2] =	stream.indirect.scatter.add.f32 [tilespmem:s20], [sflag:$0x4], $0x80, s5, s24, $0xb8;
	[tilespmem:$0x1EF80] =	vst v63  }
0x93: {  	_ =	swait.ge [sflag:s31], $0x2000  }
0x94: {  	[sflag:s31] =	ssyncset.done $0x0  }
0x95: {  	s6 =	simm.s32 $0x4F00;
	[sflag:s31] =	ssyncadd.s32 $0xFFFFE000  }
0x96: {  	[spmem:s2] =	stream.indirect.scatter.add.f32 [tilespmem:s26], [sflag:$0x5], $0x80, s6, s24, $0xb8;
	[tilespmem:$0x1EF80] =	vst v63  }
0x97: {  	_ =	swait.ge [sflag:s0], $0x2000  }
0x98: {  	[sflag:s0] =	ssyncset.done $0x0  }
0x99: {  	s8 =	simm.s32 $0x4F40;
	[sflag:s0] =	ssyncadd.s32 $0xFFFFE000  }
0x9a: {  	[spmem:s2] =	stream.indirect.scatter.add.f32 [tilespmem:s29], [sflag:$0x6], $0x80, s8, s24, $0xb8;
	[tilespmem:$0x1EF80] =	vst v63  }
0x9b: {  	_ =	swait.ge [sflag:s3], $0x2000  }
0x9c: {  	[sflag:s3] =	ssyncset.done $0x0  }
0x9d: {  	[sflag:s3] =	ssyncadd.s32 $0xFFFFE000  }
0x9e: {  	_ =	swait.ge [sflag:s19], $0x2000  }
0x9f: {  	[sflag:s19] =	ssyncset.done $0x0  }
0xa0: {  	[sflag:s19] =	ssyncadd.s32 $0xFFFFE000  }
0xa1: {  	_ =	swait.ge [sflag:s28], $0x2000  }
0xa2: {  	[sflag:s28] =	ssyncset.done $0x0  }
0xa3: {  	s4 =	sadd.s32 $0x1, s4;
	s6 =	stileid.u32;
	[sflag:s28] =	ssyncadd.s32 $0xFFFFE000  }
0xa4: {  	p0 =	sne.s32 s4, s9;
	s5 =	sshll.u32 s6, $0x6;
	[bflag:$0x0] =	sbarrier.arrive $0xFFFF  }
.Ltmp2:
0xa5: {  	s5 =	sor.u32 $0x1C09, s5;
	s8 =	rddreg [dreg:$0x6];
	(pc) =	sbr.rel @p0 .LBB2_1-.Ltmp2, $4  }
0xa6: {  	[hbm:s8], [sflag:s5] =	dma.local [spmem:s25], $0x2800  }
0xa7: {  	_ =	swait.ge [sflag:s21], $0x2800  }
0xa8: {  	[sflag:s21] =	ssyncset.done $0x0  }
0xa9: {  	[sflag:s21] =	ssyncadd.s32 $0xFFFFD800  }
0xaa: {  	_ =	sfence.sel $0x180000  }
0xab: {  	[bflag:$0x0] =	sbarrier.arrive $0xFFFF  }
0xac: {  	_ =	strace $0x90000047  }
0xad: {  	s0 =	stileid.u32;
	[bflag:$0x2] =	sbarrier.arrive $0xFFFF  }
0xae: {  	p0 =	sne.s32 s0, $0x0;
	s0 =	rddreg [dreg:$0x3]  }
0xaf: {  	s0 =	sadd.s32 @!p0 $0x100000, s0  }
0xb0: {  	[sflag:s0] =	ssyncadd.tile.s32 @!p0 $0x1;
	_ =	shalt  }
.Lfunc_end2:
_tile_overlayer_lowered:
.L_overlay_start_2:
0xb1: {  	(tag) =	ssettag $0x2  }
0xb2: {  	s0 =	rddreg [dreg:$0x0];
	s2 =	stileid.u32  }
0xb3: {  	s1 =	rddreg [dreg:$0x1];
	p0 =	sne.s32 s2, $0x0  }
0xb4: {  	s3 =	rddreg [dreg:$0x2];
	[bflag:$0x3] =	sbarrier.arrive $0xFFFF;
	s2 =	simm.s32 @!p0 $0x1C09  }
0xb5: {  	[timem:s3], [sflag:s2] =	dma.local @!p0 [hbm:s0], s1  }
0xb6: {  	s0 =	simm.s32 @!p0 $0x9  }
0xb7: {  	_ =	swait.ge @!p0 [sflag:s0], s1  }
0xb8: {  	s1 =	ssub.s32 @!p0 $0x0, s1;
	[sflag:s0] =	ssyncset.done @!p0 $0x0  }
0xb9: {  	[sflag:s0] =	ssyncadd.s32 @!p0 s1  }
0xba: {  	[bflag:$0x3] =	sbarrier.arrive $0xFFFF  }
0xbb: {  	_ =	shalt  }

// kernel: kernel.9.cloned.1.call-start
scs
__scs_entry_jumppad:
0x0: {  	(pc) =	sbr.rel $0x88, $3  }
0x1: {  	(tag) =	ssettag $0x0;
	lr =	simm.s32 $0x1  }
0x2: {  	[smem:$0x3F9B] =	sst lr;
	_ =	strace $0xD0000000  }
0x3: {  	_ = 	snop  }
0x4: {  	_ = 	snop  }
0x5: {  	_ = 	snop  }
0x6: {  	_ = 	snop  }
0x7: {  	_ = 	snop  }
__scs_overlays_trampoline_lowered:
0x8: {  	[smem:$0x3FAA] =	sst s0  }
0x9: {  	[smem:$0x3FAB] =	sst s1  }
0xa: {  	[smem:$0x3FAC] =	sst s2  }
0xb: {  	[smem:$0x3FAD] =	sst s3  }
0xc: {  	[smem:$0x3FAE] =	sst s4  }
0xd: {  	[smem:$0x3FAF] =	sst s5  }
0xe: {  	[smem:$0x3FB0] =	sst s6  }
0xf: {  	[smem:$0x3FB1] =	sst s7  }
0x10: {  	[smem:$0x3FB2] =	sst s8  }
0x11: {  	[smem:$0x3FB3] =	sst s9;
	s0 =	simm.s32 @!p0 $0x0  }
0x12: {  	s1 =	sld [smem:$0x3F99];
	s0 =	simm.s32 @p0 $0x1  }
0x13: {  	[smem:$0x3FB4] =	sst s0;
	s0 =	simm.s32 @!p1 $0x0  }
0x14: {  	s2 =	sld [smem:$0x3F98];
	s0 =	simm.s32 @p1 $0x1  }
0x15: {  	[smem:$0x3FB5] =	sst s0;
	s0 =	simm.s32 @!p2 $0x0  }
0x16: {  	s3 =	sld [smem:$0x3FDB];
	s0 =	simm.s32 @p2 $0x1  }
0x17: {  	s4 =	simm.s32 $0x1BF5;
	[smem:$0x3FB7] =	sst s0  }
0x18: {  	s0 =	sld [smem:$0x3F9A];
	_ =	swait.ge [sflag:s4], $0x0  }
0x19: {  	s7 =	sld [smem:$0x3F9B]  }
0x1a: {  	s8 =	sadd.s32 $0xFFFFE003, lr  }
0x1b: {  	s9 =	sadd.s32 $0xFFFFFEF7, lr;
	s5 =	simm.s32 $0xFFFFFFFF;
	p2 =	slt.u32 s8, $0xFFFFF086  }
0x1c: {  	p1 =	slt.u32 s9, $0xF7A;
	s5 =	simm.s32 @!p2 $0x0  }
0x1d: {  	s5 =	simm.s32 @p1 $0x1;
	p0 =	seq.s32 s7, s2  }
0x1e: {  	s7 =	smul.u32 @!p0 $0xF7A, s2;
	p2 =	seq.s32 @!p0 s5, $0x0  }
0x1f: {  	s9 =	smul.u32 $0xF7A, s1;
	s8 =	simm.s32 @!p0 $0x1BF5;
	p2 =	por !p2, p0  }
0x20: {  	[sflag:s8] =	ssyncset.s32 @!p0 $0xFFFFF086;
	s6 =	sadd.s32 @!p0 s3, s7;
	s7 =	simm.s32 @!p0 $0x108  }
0x21: {  	s3 =	sadd.s32 s3, s9;
	s6 =	sadd.s32 @!p0 $0x88, s6;
	s7 =	simm.s32 @p2 $0x1082  }
0x22: {  	[simem:s7], [sflag:s8] =	dma.local @!p0 [hbm:s6], $0xF7A  }
0x23: {  	s9 =	sor.u32 $0xD0000000, s2;
	s6 =	simm.s32 $0x108;
	_ =	swait.ge @!p0 [sflag:s8], $0x0  }
0x24: {  	s3 =	sadd.s32 $0x88, s3;
	s6 =	simm.s32 @!p1 $0x1082;
	[sflag:s4] =	ssyncset.s32 $0xFFFFF086  }
0x25: {  	[simem:s6], [sflag:s4] =	dma.local [hbm:s3], $0xF7A  }
0x26: {  	[smem:$0x3F9B] =	sst s1;
	(tag) =	ssettag s2;
	_ =	strace s9  }
0x27: {  	s1 =	sld [smem:$0x3FAB]  }
0x28: {  	s2 =	sld [smem:$0x3FAC]  }
0x29: {  	s4 =	sld [smem:$0x3FAE]  }
0x2a: {  	p0 =	seq.s32 s5, $0x0;
	s5 =	sld [smem:$0x3FAF]  }
0x2b: {  	s6 =	sld [smem:$0x3FB0]  }
0x2c: {  	s7 =	sld [smem:$0x3FB1]  }
0x2d: {  	s3 =	simm.s32 $0x108;
	s8 =	sld [smem:$0x3FB2]  }
0x2e: {  	s3 =	simm.s32 @!p0 $0x1082;
	s9 =	sld [smem:$0x3FB3]  }
0x2f: {  	lr =	sadd.s32 s0, s3;
	s0 =	sld [smem:$0x3FAA]  }
0x30: {  	s3 =	sld [smem:$0x3FAD]  }
0x31: {  	[smem:$0x3FB6] =	sst s10  }
0x32: {  	s10 =	sld [smem:$0x3FB4];
	_ =	sdelay $0x3  }
0x33: {  	p0 =	seq.s32 s10, $0x1;
	s10 =	sld [smem:$0x3FB6];
	_ =	sdelay $0x3  }
0x34: {  	[smem:$0x3FB6] =	sst s10  }
0x35: {  	s10 =	sld [smem:$0x3FB5];
	_ =	sdelay $0x3  }
0x36: {  	p1 =	seq.s32 s10, $0x1;
	s10 =	sld [smem:$0x3FB6];
	_ =	sdelay $0x3  }
0x37: {  	[smem:$0x3FB6] =	sst s10  }
0x38: {  	s10 =	sld [smem:$0x3FB7]  }
0x39: {  	_ = 	snop;
	(pc) =	sbr.ind lr, $3  }
0x3a: {  	_ = 	snop  }
0x3b: {  	_ = 	snop  }
0x3c: {  	p2 =	seq.s32 s10, $0x1;
	s10 =	sld [smem:$0x3FB6]  }
0x3d: {  	_ =	shalt  }
0x3e: {  	_ =	shalt  }
0x3f: {  	_ =	shalt  }
0x40: {  	_ =	shalt  }
0x41: {  	_ =	shalt  }
0x42: {  	_ =	shalt  }
0x43: {  	_ =	shalt  }
0x44: {  	_ =	shalt  }
0x45: {  	_ =	shalt  }
0x46: {  	_ =	shalt  }
0x47: {  	_ =	shalt  }
0x48: {  	_ =	shalt  }
0x49: {  	_ =	shalt  }
0x4a: {  	_ =	shalt  }
0x4b: {  	_ =	shalt  }
0x4c: {  	_ =	shalt  }
0x4d: {  	_ =	shalt  }
0x4e: {  	_ =	shalt  }
0x4f: {  	_ =	shalt  }
0x50: {  	_ =	shalt  }
0x51: {  	_ =	shalt  }
0x52: {  	_ =	shalt  }
0x53: {  	_ =	shalt  }
0x54: {  	_ =	shalt  }
0x55: {  	_ =	shalt  }
0x56: {  	_ =	shalt  }
0x57: {  	_ =	shalt  }
0x58: {  	_ =	shalt  }
0x59: {  	_ =	shalt  }
0x5a: {  	_ =	shalt  }
0x5b: {  	_ =	shalt  }
0x5c: {  	_ =	shalt  }
0x5d: {  	_ =	shalt  }
0x5e: {  	_ =	shalt  }
0x5f: {  	_ =	shalt  }
0x60: {  	_ =	shalt  }
0x61: {  	_ =	shalt  }
0x62: {  	_ =	shalt  }
0x63: {  	_ =	shalt  }
0x64: {  	_ =	shalt  }
0x65: {  	_ =	shalt  }
0x66: {  	_ =	shalt  }
0x67: {  	_ =	shalt  }
0x68: {  	_ =	shalt  }
0x69: {  	_ =	shalt  }
0x6a: {  	_ =	shalt  }
0x6b: {  	_ =	shalt  }
0x6c: {  	_ =	shalt  }
0x6d: {  	_ =	shalt  }
0x6e: {  	_ =	shalt  }
0x6f: {  	_ =	shalt  }
0x70: {  	_ =	shalt  }
0x71: {  	_ =	shalt  }
0x72: {  	_ =	shalt  }
0x73: {  	_ =	shalt  }
0x74: {  	_ =	shalt  }
0x75: {  	_ =	shalt  }
0x76: {  	_ =	shalt  }
0x77: {  	_ =	shalt  }
0x78: {  	_ =	shalt  }
0x79: {  	_ =	shalt  }
0x7a: {  	_ =	shalt  }
0x7b: {  	_ =	shalt  }
0x7c: {  	_ =	shalt  }
0x7d: {  	_ =	shalt  }
0x7e: {  	_ =	shalt  }
0x7f: {  	_ =	shalt  }
0x80: {  	_ =	shalt  }
0x81: {  	_ =	shalt  }
0x82: {  	_ =	shalt  }
0x83: {  	_ =	shalt  }
0x84: {  	_ =	shalt  }
0x85: {  	_ =	shalt  }
0x86: {  	_ =	shalt  }
0x87: {  	_ =	shalt  }
.Lfunc_end0:
.L_simem_size_0:
called_computation.1_lowered:
.L_overlay_start_0:
0x88: {  	s2 =	sld [smem:$0x3FD9]  }
0x89: {  	s3 =	sld [smem:$0x3FFE];
	_ =	sdelay $0x1  }
0x8a: {  	s1 =	srdreg.scid  }
0x8b: {  	s0 =	sand.u32 $0x1, s1  }
0x8c: {  	s17 =	sshll.u32 s0, $0xA;
	s2 =	sadd.s32 s3, s2  }
0x8d: {  	s2 =	sadd.s32 s2, s17  }
0x8e: {  	[smem:$0x3FC2] =	sst s2  }
0x8f: {  	_ = 	snop  }
0x90: {  	s2 =	sld [smem:$0x3FD0];
	(tm) =	ssettm $0x1  }
0x91: {  	s18 =	sld [smem:$0x3FFB];
	_ =	sdelay $0x3  }
0x92: {  	_ =	strace s18  }
0x93: {  	s3 =	sld [smem:$0x3FFC];
	_ =	sdelay $0x3  }
0x94: {  	_ =	strace s3  }
0x95: {  	s3 =	sld [smem:$0x3FFD];
	_ =	sdelay $0x3  }
0x96: {  	_ =	strace s3  }
0x97: {  	_ =	strace $0x8FFFFFFF  }
0x98: {  	s19 =	sld [smem:$0x3FDB];
	_ =	sdelay $0x1  }
0x99: {  	s4 =	simm.s32 $_scs_section_size  }
0x9a: {  	s5 =	simm.s32 $_size__tile_overlayer_lowered;
	s6 =	simm.s32 $_tile_overlayer_lowered  }
0x9b: {  	s22 =	simm.s32 $0x1BFF;
	s21 =	sshll.u32 s6, $0x1;
	s3 =	sadd.s32 s4, s19  }
0x9c: {  	s7 =	simm.s32 $0x0;
	s20 =	sshll.u32 s5, $0x1;
	s5 =	sadd.s32 s21, s3  }
0x9d: {  	[timem:s7], [sflag:s22] =	dma.local [hbm:s5], s20  }
0x9e: {  	_ =	swait.ge [sflag:s22], s20  }
0x9f: {  	s4 =	ssub.s32 $0x0, s20;
	[sflag:s22] =	ssyncset.done $0x0  }
0xa0: {  	[sflag:s22] =	ssyncadd.s32 s4;
	_ =	sdelay $0x1  }
0xa1: {  	s23 =	simm.s32 $0x1B8B  }
0xa2: {  	_ =	swait.ge [sflag:s23], $0x1  }
0xa3: {  	[sflag:s23] =	ssyncset.done $0x0  }
0xa4: {  	s25 =	simm.s32 $0x1B8E;
	s24 =	sld [smem:$0x3FFE];
	[sflag:s23] =	ssyncadd.s32 $0xFFFFFFFF  }
0xa5: {  	s26 =	simm.s32 $execute0_lowered;
	[smem:$0x3FD2] =	sst s25  }
0xa6: {  	s5 =	sshll.u32 s26, $0x1;
	_ =	strace $0x80000049;
	[dreg:$0x1] =	wrdreg $0xFFFFFFFF  }
0xa7: {  	s28 =	simm.s32 $_size_execute0_lowered;
	s3 =	sadd.s32 s3, s5;
	[dreg:$0x0] =	wrdreg $0x0  }
0xa8: {  	s5 =	sshll.u32 s28, $0x1;
	[dreg:$0x2] =	wrdreg s3  }
0xa9: {  	[dreg:$0x3] =	wrdreg s5  }
0xaa: {  	[dreg:$0x4] =	wrdreg $0xC0  }
0xab: {  	_ =	task [dreg:s7], $0x5FFFF  }
0xac: {  	[dreg:$0x1] =	wrdreg $0xFFFFFFFF  }
0xad: {  	[dreg:$0x0] =	wrdreg $0x60  }
0xae: {  	[dreg:$0x2] =	wrdreg s24  }
0xaf: {  	[dreg:$0x3] =	wrdreg s2  }
0xb0: {  	[dreg:$0x4] =	wrdreg $0xE4000  }
0xb1: {  	[dreg:$0x5] =	wrdreg $0x9  }
0xb2: {  	_ =	task.clear_ibuf [dreg:s7], $0x6FFFF;
	_ =	strace $0x90000049  }
0xb3: {  	s29 =	simm.s32 $0x9;
	_ =	strace $0x8000004B  }
0xb4: {  	_ =	swait.ge [sflag:s29], $0x1  }
0xb5: {  	[sflag:s29] =	ssyncadd.s32 $0xFFFFFFFF  }
0xb6: {  	_ =	strace $0x9000004B  }
0xb7: {  	_ =	sfence  }
0xb8: {  	s30 =	sld [smem:$0x0];
	_ =	sdelay $0x2  }
0xb9: {  	s31 =	sshll.u32 s1, $0xD;
	s1 =	sshrl.u32 s1, $0x2  }
0xba: {  	s3 =	sand.u32 $0x4000, s31;
	s1 =	sadd.s32 s1, s30  }
0xbb: {  	s0 =	sor.u32 s3, s0;
	s1 =	sshll.u32 s1, $0x11  }
0xbc: {  	s0 =	sor.u32 s1, s0  }
0xbd: {  	s0 =	sadd.s32 $0x8F2B, s0  }
0xbe: {  	[sflag:s0] =	ssyncadd.remote.s32 $0x1  }
0xbf: {  	_ =	sfence.sel $0xFFFF  }
0xc0: {  	[dreg:$0x0] =	wrdreg $0xFFFFFFFF;
	(pc) =	sbr.abs _section_cstart, $3  }
0xc1: {  	[dreg:$0x1] =	wrdreg $0xFFFFFFFF  }
0xc2: {  	_ =	task.clear_ibuf [dreg:s7], $0x2FFFF;
	_ =	strace $0x9FFFFFFF  }
0xc3: {  	(tm) =	ssettm $0x7FFFFFFF  }
tec
execute0_lowered:
.L_overlay_start_1:
0x0: {  	(tag) =	ssettag $0x1  }
0x1: {  	s0 =	srdreg.scid;
	s1 =	rddreg [dreg:$0x0]  }
0x2: {  	s10 =	stileid.u32;
	s3 =	rddreg [dreg:$0x1];
	s20 =	simm.s32 $0x0  }
0x3: {  	s15 =	simm.s32 $0x5400;
	s16 =	simm.s32 $0xF;
	s17 =	simm.s32 $0xD  }
0x4: {  	s18 =	simm.s32 $0xE;
	s19 =	simm.s32 $0x80;
	s28 =	simm.s32 $0xB400  }
0x5: {  	s30 =	simm.s32 $0xCC00;
	s31 =	simm.s32 $0x1;
	s14 =	simm.s32 $0x3  }
0x6: {  	s29 =	simm.s32 $0x8;
	s0 =	sand.u32 $0x1, s0;
	s7 =	smul.u32 $0x7800, s10  }
0x7: {  	s2 =	sshll.u32 s10, $0x1;
	[smem:$0x7FF] =	sst s20;
	s10 =	smul.u32 $0x1E000, s10  }
0x8: {  	s20 =	simm.s32 $0x6C00;
	s4 =	sor.u32 s0, s2;
	s2 =	rddreg [dreg:$0x2]  }
0x9: {  	s6 =	smul.u32 $0x78000, s0;
	_ =	strace $0x8000004A;
	s0 =	ssub.s32 $0x2, s0  }
0xa: {  	s5 =	smul.u32 $0x540, s4;
	s4 =	sadd.s32 $0xA00, s1;
	s9 =	sshrl.u32 s0, $0x1  }
0xb: {  	s22 =	sshrl.u32 s10, $0x2;
	s23 =	sadd.s32 s7, s2;
	s6 =	sadd.s32 s7, s6  }
0xc: {  	s0 =	ssub.s32 s0, s9;
	s9 =	sadd.s32 s22, s2;
	s22 =	simm.s32 $0x8400  }
0xd: {  	s7 =	simm.s32 $0xC;
	s8 =	sadd.s32 s5, s1;
	s3 =	sadd.s32 s3, s5  }
0xe: {  	s6 =	sshrl.u32 s6, $0x3;
	s0 =	smax.u32 s0, $0x1;
	[dreg:$0x4] =	wrdreg s3  }
0xf: {  	s24 =	sadd.s32 $0x1800, s9;
	s25 =	sadd.s32 $0x3000, s9;
	[dreg:$0x7] =	wrdreg s0  }
0x10: {  	s26 =	sadd.s32 $0x4800, s9;
	s13 =	sadd.s32 $0x6000, s9;
	[dreg:$0x8] =	wrdreg s24  }
0x11: {  	s5 =	simm.s32 $0xA;
	s1 =	sadd.s32 s6, s1;
	[dreg:$0x9] =	wrdreg s25  }
0x12: {  	s21 =	sadd.s32 $0x64A00, s8;
	[dreg:$0xa] =	wrdreg s26;
	s24 =	simm.s32 $0x9C00  }
0x13: {  	s25 =	sshrl.u32 s23, $0x3;
	s0 =	simm.s32 $0x4;
	s23 =	simm.s32 $0x6  }
0x14: {  	s26 =	simm.s32 $0x7;
	s3 =	simm.s32 $0x9;
	s6 =	simm.s32 $0xB  }
0x15: {  	s8 =	simm.s32 $0x0;
	[dreg:$0x5] =	wrdreg s21;
	s1 =	sadd.s32 $0xFA00, s1  }
0x16: {  	v0 =	vimm.f32 $0.0e+00;
	s21 =	simm.s32 $0x5;
	[dreg:$0x6] =	wrdreg s1;
	s1 =	simm.s32 $0x2  }
.LBB2_1:
0x17: {  	s10 =	simm.s32 $0x0;
	s11 =	rddreg [dreg:$0x4]  }
0x18: {  	[tilespmem:s10], [sflag:$0xD] =	stream.linear.gather [hbm4b:s11+s10], $0x2A00, $0x38;
	[tilespmem:$0x15C00] =	vst v63  }
0x19: {  	s12 =	simm.s32 $0x2A00;
	s11 =	rddreg [dreg:$0x5]  }
0x1a: {  	[tilespmem:s12], [sflag:$0xE] =	stream.linear.gather [hbm4b:s11+s10], $0x2A00, $0x38;
	[tilespmem:$0x15C00] =	vst v63  }
0x1b: {  	s10 =	simm.s32 $0xC0;
	s11 =	simm.s32 $0x0  }
.LBB2_2:
0x1c: {  	p0 =	sne.s32 s10, $0x5F40;
	[tilespmem:s11+$0x5420] =	vst v0;
	s12 =	smov.u32 s10;
	s10 =	sadd.s32 $0xC0, s10  }
.Ltmp0:
0x1d: {  	[tilespmem:s11+$0x5400] =	vst v0;
	(pc) =	sbr.rel @p0 .LBB2_2-.Ltmp0, $2  }
0x1e: {  	[tilespmem:s11+$0x5410] =	vst v0;
	_ =	sdelay $0x2  }
0x1f: {  	s11 =	sshra.s32 s12, $0x2  }
0x20: {  	[tilespmem:s11+$0x5420] =	vst v0  }
0x21: {  	[tilespmem:s11+$0x5400] =	vst v0  }
0x22: {  	[tilespmem:s11+$0x5410] =	vst v0  }
0x23: {  	[spmem:s9] =	stream.linear.scatter [tilespmem:s15], [sflag:$0xF], $0x1800, $0x38;
	[tilespmem:$0x15C00] =	vst v63  }
0x24: {  	_ =	swait.ge [sflag:s16], $0x1800  }
0x25: {  	[sflag:s16] =	ssyncset.done $0x0  }
0x26: {  	s10 =	rddreg [dreg:$0x8];
	[sflag:s16] =	ssyncadd.s32 $0xFFFFE800  }
0x27: {  	[spmem:s10] =	stream.linear.scatter [tilespmem:s15], [sflag:$0xF], $0x1800, $0x38;
	[tilespmem:$0x15C00] =	vst v63  }
0x28: {  	_ =	swait.ge [sflag:s16], $0x1800  }
0x29: {  	[sflag:s16] =	ssyncset.done $0x0  }
0x2a: {  	s11 =	rddreg [dreg:$0x9];
	[sflag:s16] =	ssyncadd.s32 $0xFFFFE800  }
0x2b: {  	[spmem:s11] =	stream.linear.scatter [tilespmem:s15], [sflag:$0xF], $0x1800, $0x38;
	[tilespmem:$0x15C00] =	vst v63  }
0x2c: {  	_ =	swait.ge [sflag:s16], $0x1800  }
0x2d: {  	[sflag:s16] =	ssyncset.done $0x0  }
0x2e: {  	s12 =	rddreg [dreg:$0xa];
	[sflag:s16] =	ssyncadd.s32 $0xFFFFE800  }
0x2f: {  	[spmem:s12] =	stream.linear.scatter [tilespmem:s15], [sflag:$0xF], $0x1800, $0x38;
	[tilespmem:$0x15C00] =	vst v63  }
0x30: {  	_ =	swait.ge [sflag:s16], $0x1800  }
0x31: {  	[sflag:s16] =	ssyncset.done $0x0  }
0x32: {  	[sflag:s16] =	ssyncadd.s32 $0xFFFFE800  }
0x33: {  	[spmem:s13] =	stream.linear.scatter [tilespmem:s15], [sflag:$0xF], $0x1800, $0x38;
	[tilespmem:$0x15C00] =	vst v63  }
0x34: {  	_ =	swait.ge [sflag:s16], $0x1800  }
0x35: {  	[sflag:s16] =	ssyncset.done $0x0  }
0x36: {  	[sflag:s16] =	ssyncadd.s32 $0xFFFFE800  }
0x37: {  	[bflag:$0x0] =	sbarrier.arrive $0xFFFF  }
0x38: {  	_ =	swait.ge [sflag:s17], $0x2A00  }
0x39: {  	[sflag:s17] =	ssyncset.done $0x0  }
0x3a: {  	[sflag:s17] =	ssyncadd.s32 $0xFFFFD600  }
0x3b: {  	_ =	swait.ge [sflag:s18], $0x2A00  }
0x3c: {  	[sflag:s18] =	ssyncset.done $0x0  }
0x3d: {  	s11 =	simm.s32 $0x0;
	[sflag:s18] =	ssyncadd.s32 $0xFFFFD600  }
0x3e: {  	[tilespmem:s15], [sflag:$0x1] =	stream.indirect.gather [hbm4b:s4+s19], $0x30, s11, s19, $0xb8;
	[tilespmem:$0x15C00] =	vst v63  }
0x3f: {  	_ = 	snop  }
0x40: {  	[tilespmem:s20], [sflag:$0x2] =	stream.indirect.gather [hbm4b:s4+s19], $0x30, s19, s19, $0xb8;
	[tilespmem:$0x15C00] =	vst v63  }
0x41: {  	s12 =	simm.s32 $0x100  }
0x42: {  	[tilespmem:s22], [sflag:$0x3] =	stream.indirect.gather [hbm4b:s4+s19], $0x30, s12, s19, $0xb8;
	[tilespmem:$0x15C00] =	vst v63  }
0x43: {  	s11 =	simm.s32 $0x180  }
0x44: {  	[tilespmem:s24], [sflag:$0x4] =	stream.indirect.gather [hbm4b:s4+s19], $0x30, s11, s19, $0xb8;
	[tilespmem:$0x15C00] =	vst v63  }
0x45: {  	s12 =	simm.s32 $0x200  }
0x46: {  	[tilespmem:s28], [sflag:$0x5] =	stream.indirect.gather [hbm4b:s4+s19], $0x30, s12, s19, $0xb8;
	[tilespmem:$0x15C00] =	vst v63  }
0x47: {  	s11 =	simm.s32 $0x280  }
0x48: {  	[tilespmem:s30], [sflag:$0x6] =	stream.indirect.gather [hbm4b:s4+s19], $0x30, s11, s19, $0xb8;
	[tilespmem:$0x15C00] =	vst v63  }
0x49: {  	_ =	swait.ge [sflag:s31], $0x1800  }
0x4a: {  	[sflag:s31] =	ssyncset.done $0x0  }
0x4b: {  	s12 =	simm.s32 $0x2A00;
	[sflag:s31] =	ssyncadd.s32 $0xFFFFE800  }
0x4c: {  	[spmem:s2] =	stream.indirect.scatter.add.f32 [tilespmem:s15], [sflag:$0x7], $0x30, s12, s19, $0xb8;
	[tilespmem:$0x15C00] =	vst v63  }
0x4d: {  	_ =	swait.ge [sflag:s1], $0x1800  }
0x4e: {  	[sflag:s1] =	ssyncset.done $0x0  }
0x4f: {  	s11 =	simm.s32 $0x2A80;
	[sflag:s1] =	ssyncadd.s32 $0xFFFFE800  }
0x50: {  	[spmem:s2] =	stream.indirect.scatter.add.f32 [tilespmem:s20], [sflag:$0x8], $0x30, s11, s19, $0xb8;
	[tilespmem:$0x15C00] =	vst v63  }
0x51: {  	_ =	swait.ge [sflag:s14], $0x1800  }
0x52: {  	[sflag:s14] =	ssyncset.done $0x0  }
0x53: {  	s12 =	simm.s32 $0x2B00;
	[sflag:s14] =	ssyncadd.s32 $0xFFFFE800  }
0x54: {  	[spmem:s2] =	stream.indirect.scatter.add.f32 [tilespmem:s22], [sflag:$0x9], $0x30, s12, s19, $0xb8;
	[tilespmem:$0x15C00] =	vst v63  }
0x55: {  	_ =	swait.ge [sflag:s0], $0x1800  }
0x56: {  	[sflag:s0] =	ssyncset.done $0x0  }
0x57: {  	s11 =	simm.s32 $0x2B80;
	[sflag:s0] =	ssyncadd.s32 $0xFFFFE800  }
0x58: {  	[spmem:s2] =	stream.indirect.scatter.add.f32 [tilespmem:s24], [sflag:$0xA], $0x30, s11, s19, $0xb8;
	[tilespmem:$0x15C00] =	vst v63  }
0x59: {  	_ =	swait.ge [sflag:s21], $0x1800  }
0x5a: {  	[sflag:s21] =	ssyncset.done $0x0  }
0x5b: {  	s12 =	simm.s32 $0x2C00;
	[sflag:s21] =	ssyncadd.s32 $0xFFFFE800  }
0x5c: {  	[spmem:s2] =	stream.indirect.scatter.add.f32 [tilespmem:s28], [sflag:$0xB], $0x30, s12, s19, $0xb8;
	[tilespmem:$0x15C00] =	vst v63  }
0x5d: {  	_ =	swait.ge [sflag:s23], $0x1800  }
0x5e: {  	[sflag:s23] =	ssyncset.done $0x0  }
0x5f: {  	s11 =	simm.s32 $0x2C80;
	[sflag:s23] =	ssyncadd.s32 $0xFFFFE800  }
0x60: {  	[spmem:s2] =	stream.indirect.scatter.add.f32 [tilespmem:s30], [sflag:$0xC], $0x30, s11, s19, $0xb8;
	[tilespmem:$0x15C00] =	vst v63  }
0x61: {  	_ =	swait.ge [sflag:s26], $0x1800  }
0x62: {  	[sflag:s26] =	ssyncset.done $0x0  }
0x63: {  	s12 =	simm.s32 $0x300;
	[sflag:s26] =	ssyncadd.s32 $0xFFFFE800  }
0x64: {  	[tilespmem:s15], [sflag:$0x1] =	stream.indirect.gather [hbm4b:s4+s19], $0x30, s12, s19, $0xb8;
	[tilespmem:$0x15C00] =	vst v63  }
0x65: {  	_ =	swait.ge [sflag:s29], $0x1800  }
0x66: {  	[sflag:s29] =	ssyncset.done $0x0  }
0x67: {  	s11 =	simm.s32 $0x380;
	[sflag:s29] =	ssyncadd.s32 $0xFFFFE800  }
0x68: {  	[tilespmem:s20], [sflag:$0x2] =	stream.indirect.gather [hbm4b:s4+s19], $0x30, s11, s19, $0xb8;
	[tilespmem:$0x15C00] =	vst v63  }
0x69: {  	_ =	swait.ge [sflag:s3], $0x1800  }
0x6a: {  	[sflag:s3] =	ssyncset.done $0x0  }
0x6b: {  	s12 =	simm.s32 $0x400;
	[sflag:s3] =	ssyncadd.s32 $0xFFFFE800  }
0x6c: {  	[tilespmem:s22], [sflag:$0x3] =	stream.indirect.gather [hbm4b:s4+s19], $0x30, s12, s19, $0xb8;
	[tilespmem:$0x15C00] =	vst v63  }
0x6d: {  	_ =	swait.ge [sflag:s5], $0x1800  }
0x6e: {  	[sflag:s5] =	ssyncset.done $0x0  }
0x6f: {  	s11 =	simm.s32 $0x480;
	[sflag:s5] =	ssyncadd.s32 $0xFFFFE800  }
0x70: {  	[tilespmem:s24], [sflag:$0x4] =	stream.indirect.gather [hbm4b:s4+s19], $0x30, s11, s19, $0xb8;
	[tilespmem:$0x15C00] =	vst v63  }
0x71: {  	_ =	swait.ge [sflag:s6], $0x1800  }
0x72: {  	[sflag:s6] =	ssyncset.done $0x0  }
0x73: {  	s12 =	simm.s32 $0x500;
	[sflag:s6] =	ssyncadd.s32 $0xFFFFE800  }
0x74: {  	[tilespmem:s28], [sflag:$0x5] =	stream.indirect.gather [hbm4b:s4+s19], $0x30, s12, s19, $0xb8;
	[tilespmem:$0x15C00] =	vst v63  }
0x75: {  	_ =	swait.ge [sflag:s7], $0x1800  }
0x76: {  	[sflag:s7] =	ssyncset.done $0x0  }
0x77: {  	s10 =	simm.s32 $0xC00;
	s11 =	simm.s32 $0x580;
	[sflag:s7] =	ssyncadd.s32 $0xFFFFE800  }
.LBB2_4:
0x78: {  	[tilespmem:s30], [sflag:$0x6] =	stream.indirect.gather [hbm4b:s4+s19], $0x30, s11, s19, $0xb8;
	[tilespmem:$0x15C00] =	vst v63  }
0x79: {  	s11 =	smov.u32 s10  }
0x7a: {  	p0 =	sne.s32 s10, $0x9000;
	s10 =	sadd.s32 $0xC00, s10;
	_ =	swait.ge [sflag:s31], $0x1800  }
0x7b: {  	s11 =	sshra.s32 s11, $0x2;
	[sflag:s31] =	ssyncset.done $0x0  }
0x7c: {  	s12 =	sadd.s32 $0x2A00, s11;
	[sflag:s31] =	ssyncadd.s32 $0xFFFFE800  }
0x7d: {  	[spmem:s2] =	stream.indirect.scatter.add.f32 [tilespmem:s15], [sflag:$0x7], $0x30, s12, s19, $0xb8;
	[tilespmem:$0x15C00] =	vst v63  }
0x7e: {  	_ =	swait.ge [sflag:s1], $0x1800  }
0x7f: {  	[sflag:s1] =	ssyncset.done $0x0  }
0x80: {  	s12 =	sadd.s32 $0x2A80, s11;
	[sflag:s1] =	ssyncadd.s32 $0xFFFFE800  }
0x81: {  	[spmem:s2] =	stream.indirect.scatter.add.f32 [tilespmem:s20], [sflag:$0x8], $0x30, s12, s19, $0xb8;
	[tilespmem:$0x15C00] =	vst v63  }
0x82: {  	_ =	swait.ge [sflag:s14], $0x1800  }
0x83: {  	[sflag:s14] =	ssyncset.done $0x0  }
0x84: {  	s12 =	sadd.s32 $0x2B00, s11;
	[sflag:s14] =	ssyncadd.s32 $0xFFFFE800  }
0x85: {  	[spmem:s2] =	stream.indirect.scatter.add.f32 [tilespmem:s22], [sflag:$0x9], $0x30, s12, s19, $0xb8;
	[tilespmem:$0x15C00] =	vst v63  }
0x86: {  	_ =	swait.ge [sflag:s0], $0x1800  }
0x87: {  	[sflag:s0] =	ssyncset.done $0x0  }
0x88: {  	s12 =	sadd.s32 $0x2B80, s11;
	[sflag:s0] =	ssyncadd.s32 $0xFFFFE800  }
0x89: {  	[spmem:s2] =	stream.indirect.scatter.add.f32 [tilespmem:s24], [sflag:$0xA], $0x30, s12, s19, $0xb8;
	[tilespmem:$0x15C00] =	vst v63  }
0x8a: {  	_ =	swait.ge [sflag:s21], $0x1800  }
0x8b: {  	[sflag:s21] =	ssyncset.done $0x0  }
0x8c: {  	s12 =	sadd.s32 $0x2C00, s11;
	[sflag:s21] =	ssyncadd.s32 $0xFFFFE800  }
0x8d: {  	[spmem:s2] =	stream.indirect.scatter.add.f32 [tilespmem:s28], [sflag:$0xB], $0x30, s12, s19, $0xb8;
	[tilespmem:$0x15C00] =	vst v63  }
0x8e: {  	_ =	swait.ge [sflag:s23], $0x1800  }
0x8f: {  	[sflag:s23] =	ssyncset.done $0x0  }
0x90: {  	s12 =	sadd.s32 $0x2C80, s11;
	[sflag:s23] =	ssyncadd.s32 $0xFFFFE800  }
0x91: {  	[spmem:s2] =	stream.indirect.scatter.add.f32 [tilespmem:s30], [sflag:$0xC], $0x30, s12, s19, $0xb8;
	[tilespmem:$0x15C00] =	vst v63  }
0x92: {  	_ =	swait.ge [sflag:s26], $0x1800  }
0x93: {  	[sflag:s26] =	ssyncset.done $0x0  }
0x94: {  	s12 =	sadd.s32 $0x300, s11;
	[sflag:s26] =	ssyncadd.s32 $0xFFFFE800  }
0x95: {  	[tilespmem:s15], [sflag:$0x1] =	stream.indirect.gather [hbm4b:s4+s19], $0x30, s12, s19, $0xb8;
	[tilespmem:$0x15C00] =	vst v63  }
0x96: {  	_ =	swait.ge [sflag:s29], $0x1800  }
0x97: {  	[sflag:s29] =	ssyncset.done $0x0  }
0x98: {  	s12 =	sadd.s32 $0x380, s11;
	[sflag:s29] =	ssyncadd.s32 $0xFFFFE800  }
0x99: {  	[tilespmem:s20], [sflag:$0x2] =	stream.indirect.gather [hbm4b:s4+s19], $0x30, s12, s19, $0xb8;
	[tilespmem:$0x15C00] =	vst v63  }
0x9a: {  	_ =	swait.ge [sflag:s3], $0x1800  }
0x9b: {  	[sflag:s3] =	ssyncset.done $0x0  }
0x9c: {  	s12 =	sadd.s32 $0x400, s11;
	[sflag:s3] =	ssyncadd.s32 $0xFFFFE800  }
0x9d: {  	[tilespmem:s22], [sflag:$0x3] =	stream.indirect.gather [hbm4b:s4+s19], $0x30, s12, s19, $0xb8;
	[tilespmem:$0x15C00] =	vst v63  }
0x9e: {  	_ =	swait.ge [sflag:s5], $0x1800  }
0x9f: {  	[sflag:s5] =	ssyncset.done $0x0  }
0xa0: {  	s12 =	sadd.s32 $0x480, s11;
	[sflag:s5] =	ssyncadd.s32 $0xFFFFE800  }
0xa1: {  	[tilespmem:s24], [sflag:$0x4] =	stream.indirect.gather [hbm4b:s4+s19], $0x30, s12, s19, $0xb8;
	[tilespmem:$0x15C00] =	vst v63  }
0xa2: {  	_ =	swait.ge [sflag:s6], $0x1800  }
0xa3: {  	[sflag:s6] =	ssyncset.done $0x0  }
.Ltmp1:
0xa4: {  	s12 =	sadd.s32 $0x500, s11;
	[sflag:s6] =	ssyncadd.s32 $0xFFFFE800;
	(pc) =	sbr.rel @p0 .LBB2_4-.Ltmp1, $4  }
0xa5: {  	[tilespmem:s28], [sflag:$0x5] =	stream.indirect.gather [hbm4b:s4+s19], $0x30, s12, s19, $0xb8;
	[tilespmem:$0x15C00] =	vst v63  }
0xa6: {  	_ =	swait.ge [sflag:s7], $0x1800  }
0xa7: {  	[sflag:s7] =	ssyncset.done $0x0  }
0xa8: {  	s11 =	sadd.s32 $0x580, s11;
	[sflag:s7] =	ssyncadd.s32 $0xFFFFE800  }
0xa9: {  	[tilespmem:s30], [sflag:$0x6] =	stream.indirect.gather [hbm4b:s4+s19], $0x30, s11, s19, $0xb8;
	[tilespmem:$0x15C00] =	vst v63  }
0xaa: {  	_ =	swait.ge [sflag:s31], $0x1800  }
0xab: {  	[sflag:s31] =	ssyncset.done $0x0  }
0xac: {  	s10 =	simm.s32 $0x5100;
	[sflag:s31] =	ssyncadd.s32 $0xFFFFE800  }
0xad: {  	[spmem:s2] =	stream.indirect.scatter.add.f32 [tilespmem:s15], [sflag:$0x7], $0x30, s10, s19, $0xb8;
	[tilespmem:$0x15C00] =	vst v63  }
0xae: {  	_ =	swait.ge [sflag:s1], $0x1800  }
0xaf: {  	[sflag:s1] =	ssyncset.done $0x0  }
0xb0: {  	s12 =	simm.s32 $0x5180;
	[sflag:s1] =	ssyncadd.s32 $0xFFFFE800  }
0xb1: {  	[spmem:s2] =	stream.indirect.scatter.add.f32 [tilespmem:s20], [sflag:$0x8], $0x30, s12, s19, $0xb8;
	[tilespmem:$0x15C00] =	vst v63  }
0xb2: {  	_ =	swait.ge [sflag:s14], $0x1800  }
0xb3: {  	[sflag:s14] =	ssyncset.done $0x0  }
0xb4: {  	s11 =	simm.s32 $0x5200;
	[sflag:s14] =	ssyncadd.s32 $0xFFFFE800  }
0xb5: {  	[spmem:s2] =	stream.indirect.scatter.add.f32 [tilespmem:s22], [sflag:$0x9], $0x30, s11, s19, $0xb8;
	[tilespmem:$0x15C00] =	vst v63  }
0xb6: {  	_ =	swait.ge [sflag:s0], $0x1800  }
0xb7: {  	[sflag:s0] =	ssyncset.done $0x0  }
0xb8: {  	s12 =	simm.s32 $0x5280;
	[sflag:s0] =	ssyncadd.s32 $0xFFFFE800  }
0xb9: {  	[spmem:s2] =	stream.indirect.scatter.add.f32 [tilespmem:s24], [sflag:$0xA], $0x30, s12, s19, $0xb8;
	[tilespmem:$0x15C00] =	vst v63  }
0xba: {  	_ =	swait.ge [sflag:s21], $0x1800  }
0xbb: {  	[sflag:s21] =	ssyncset.done $0x0  }
0xbc: {  	s11 =	simm.s32 $0x5300;
	[sflag:s21] =	ssyncadd.s32 $0xFFFFE800  }
0xbd: {  	[spmem:s2] =	stream.indirect.scatter.add.f32 [tilespmem:s28], [sflag:$0xB], $0x30, s11, s19, $0xb8;
	[tilespmem:$0x15C00] =	vst v63  }
0xbe: {  	_ =	swait.ge [sflag:s23], $0x1800  }
0xbf: {  	[sflag:s23] =	ssyncset.done $0x0  }
0xc0: {  	s12 =	simm.s32 $0x5380;
	[sflag:s23] =	ssyncadd.s32 $0xFFFFE800  }
0xc1: {  	[spmem:s2] =	stream.indirect.scatter.add.f32 [tilespmem:s30], [sflag:$0xC], $0x30, s12, s19, $0xb8;
	[tilespmem:$0x15C00] =	vst v63  }
0xc2: {  	_ =	swait.ge [sflag:s26], $0x1800  }
0xc3: {  	[sflag:s26] =	ssyncset.done $0x0  }
0xc4: {  	[sflag:s26] =	ssyncadd.s32 $0xFFFFE800  }
0xc5: {  	_ =	swait.ge [sflag:s29], $0x1800  }
0xc6: {  	[sflag:s29] =	ssyncset.done $0x0  }
0xc7: {  	[sflag:s29] =	ssyncadd.s32 $0xFFFFE800  }
0xc8: {  	_ =	swait.ge [sflag:s3], $0x1800  }
0xc9: {  	[sflag:s3] =	ssyncset.done $0x0  }
0xca: {  	[sflag:s3] =	ssyncadd.s32 $0xFFFFE800  }
0xcb: {  	_ =	swait.ge [sflag:s5], $0x1800  }
0xcc: {  	[sflag:s5] =	ssyncset.done $0x0  }
0xcd: {  	[sflag:s5] =	ssyncadd.s32 $0xFFFFE800  }
0xce: {  	_ =	swait.ge [sflag:s6], $0x1800  }
0xcf: {  	[sflag:s6] =	ssyncset.done $0x0  }
0xd0: {  	[sflag:s6] =	ssyncadd.s32 $0xFFFFE800  }
0xd1: {  	_ =	swait.ge [sflag:s7], $0x1800  }
0xd2: {  	[sflag:s7] =	ssyncset.done $0x0  }
0xd3: {  	s11 =	stileid.u32;
	[sflag:s7] =	ssyncadd.s32 $0xFFFFE800  }
0xd4: {  	s10 =	sshll.u32 s11, $0x6;
	[bflag:$0x0] =	sbarrier.arrive $0xFFFF  }
0xd5: {  	s10 =	sor.u32 $0x1C0F, s10;
	s12 =	rddreg [dreg:$0x6]  }
0xd6: {  	[hbm:s12], [sflag:s10] =	dma.local [spmem:s25], $0xF00  }
0xd7: {  	_ =	swait.ge [sflag:s16], $0xF00  }
0xd8: {  	s8 =	sadd.s32 $0x1, s8;
	s12 =	rddreg [dreg:$0x7]  }
0xd9: {  	p0 =	sne.s32 s8, s12  }
.Ltmp2:
0xda: {  	_ = 	snop;
	(pc) =	sbr.rel @p0 .LBB2_1-.Ltmp2, $3  }
0xdb: {  	_ =	sdelay $0x1  }
0xdc: {  	[sflag:s16] =	ssyncset.done $0x0  }
0xdd: {  	[sflag:s16] =	ssyncadd.s32 $0xFFFFF100  }
0xde: {  	_ =	sfence.sel $0x180000  }
0xdf: {  	[bflag:$0x0] =	sbarrier.arrive $0xFFFF  }
0xe0: {  	_ =	strace $0x9000004A  }
0xe1: {  	s0 =	stileid.u32;
	[bflag:$0x2] =	sbarrier.arrive $0xFFFF  }
0xe2: {  	p0 =	sne.s32 s0, $0x0;
	s0 =	rddreg [dreg:$0x3]  }
0xe3: {  	s0 =	sadd.s32 @!p0 $0x100000, s0  }
0xe4: {  	[sflag:s0] =	ssyncadd.tile.s32 @!p0 $0x1;
	_ =	shalt  }
.Lfunc_end2:
_tile_overlayer_lowered:
.L_overlay_start_2:
0xe5: {  	(tag) =	ssettag $0x2  }
0xe6: {  	s0 =	rddreg [dreg:$0x0];
	s2 =	stileid.u32  }
0xe7: {  	s1 =	rddreg [dreg:$0x1];
	p0 =	sne.s32 s2, $0x0  }
0xe8: {  	s3 =	rddreg [dreg:$0x2];
	[bflag:$0x3] =	sbarrier.arrive $0xFFFF;
	s2 =	simm.s32 @!p0 $0x1C0F  }
0xe9: {  	[timem:s3], [sflag:s2] =	dma.local @!p0 [hbm:s0], s1  }
0xea: {  	s0 =	simm.s32 @!p0 $0xF  }
0xeb: {  	_ =	swait.ge @!p0 [sflag:s0], s1  }
0xec: {  	s1 =	ssub.s32 @!p0 $0x0, s1;
	[sflag:s0] =	ssyncset.done @!p0 $0x0  }
0xed: {  	[sflag:s0] =	ssyncadd.s32 @!p0 s1  }
0xee: {  	[bflag:$0x3] =	sbarrier.arrive $0xFFFF  }
0xef: {  	_ =	shalt  }

</sc_bundles>
